<compile_context>
chip_gen: v7x
topology: tpu7x:2x2x1
jax: 0.10.2.dev20260603
libtpu: 0.0.44.dev20260713+nightly
codegen_flags: <defaults>
</compile_context>

<pallas_src>
import functools

import jax
import jax.numpy as jnp
from jax import lax
from jax.experimental import pallas as pl
from jax.experimental.pallas import tpu as pltpu
from jax.experimental.pallas import tpu_sc as plsc

B = 4096
V = 100000
D = 1536
H = 512

NC = 2
NS = 16
NW = NC * NS
CH = 16
NBUF = 4

G = 2
BCH = B // G
ROWS_PER_W = BCH // NW
NCHUNK = ROWS_PER_W // CH

BM = 512


def _sc_gather_body(goff, jd_idx, cv_idx, jd_tab, cv_tab,
                    jd_out, cv_out, idx_v, *rest):
  bufs = rest[:NBUF]
  gsems = rest[NBUF:2 * NBUF]
  wsems = rest[2 * NBUF:3 * NBUF]
  cid = lax.axis_index("c")
  sid = lax.axis_index("s")
  wid = sid * NC + cid
  base = wid * ROWS_PER_W
  pltpu.sync_copy(jd_idx.at[pl.ds(goff + base, ROWS_PER_W)], idx_v.at[0])
  pltpu.sync_copy(cv_idx.at[pl.ds(goff + base, ROWS_PER_W)], idx_v.at[1])
  work = [(t, ch) for t in range(2) for ch in range(NCHUNK)]
  tabs = (jd_tab, cv_tab)
  outs = (jd_out, cv_out)
  n = len(work)
  g = [None] * NBUF
  w = [None] * NBUF
  for k, (t, ch) in enumerate(work):
    p = k % NBUF
    if k >= NBUF:
      w[p].wait()
    g[p] = pltpu.async_copy(
        tabs[t].at[idx_v.at[t, pl.ds(ch * CH, CH)]], bufs[p], gsems[p])
    if k >= 1:
      pt, pch = work[k - 1]
      pp = (k - 1) % NBUF
      g[pp].wait()
      w[pp] = pltpu.async_copy(
          bufs[pp], outs[pt].at[pl.ds(base + pch * CH, CH)], wsems[pp])
  lt, lch = work[n - 1]
  lp = (n - 1) % NBUF
  g[lp].wait()
  w[lp] = pltpu.async_copy(
      bufs[lp], outs[lt].at[pl.ds(base + lch * CH, CH)], wsems[lp])
  for k in range(max(0, n - NBUF), n):
    w[k % NBUF].wait()


def _sc_gather(jd, cv, jd_table, cv_table, goff):
  mesh = plsc.VectorSubcoreMesh(core_axis_name="c", subcore_axis_name="s")
  return pl.kernel(
      functools.partial(_sc_gather_body, goff),
      mesh=mesh,
      out_type=[
          jax.ShapeDtypeStruct((BCH, D), jnp.float32),
          jax.ShapeDtypeStruct((BCH, D), jnp.float32),
      ],
      scratch_types=(
          [pltpu.VMEM((2, ROWS_PER_W), jnp.int32)]
          + [pltpu.VMEM((CH, D), jnp.float32) for _ in range(NBUF)]
          + [pltpu.SemaphoreType.DMA for _ in range(2 * NBUF)]
      ),
  )(jd, cv, jd_table, cv_table)


def _mlp_body(prev_ref, jd_ref, cv_ref, wcomb_ref, bc_ref, w1_ref, b1_ref,
              w2_ref, b2_ref, out_ref):
  del prev_ref
  jd_b = jd_ref[...].astype(jnp.bfloat16)
  cv_b = cv_ref[...].astype(jnp.bfloat16)
  x = (jnp.dot(jd_b, wcomb_ref[0:D], preferred_element_type=jnp.float32)
       + jnp.dot(cv_b, wcomb_ref[D:2 * D],
                 preferred_element_type=jnp.float32)
       + bc_ref[...])
  x = jnp.where(x >= 0, x, 0.01 * x)
  x = (jnp.dot(x.astype(jnp.bfloat16), w1_ref[...],
               preferred_element_type=jnp.float32) + b1_ref[...])
  x = jnp.where(x >= 0, x, 0.01 * x)
  out_ref[...] = (
      jnp.dot(x.astype(jnp.bfloat16), w2_ref[...],
              preferred_element_type=jnp.float32) + b2_ref[...])


def _mlp(prev, jd_e, cv_e, wcomb, bc, w1, b1, w2, b2, g):
  nblk = BCH // BM
  boff = g * nblk
  return pl.pallas_call(
      _mlp_body,
      grid=(nblk,),
      in_specs=[
          pl.BlockSpec((BM, 1), lambda i: (i + boff, 0)),
          pl.BlockSpec((BM, D), lambda i: (i, 0)),
          pl.BlockSpec((BM, D), lambda i: (i, 0)),
          pl.BlockSpec((2 * D, H), lambda i: (0, 0)),
          pl.BlockSpec((1, H), lambda i: (0, 0)),
          pl.BlockSpec((H, H), lambda i: (0, 0)),
          pl.BlockSpec((1, H), lambda i: (0, 0)),
          pl.BlockSpec((H, 1), lambda i: (0, 0)),
          pl.BlockSpec((1, 1), lambda i: (0, 0)),
      ],
      out_specs=pl.BlockSpec((BM, 1), lambda i: (i + boff, 0)),
      out_shape=jax.ShapeDtypeStruct((B, 1), jnp.float32),
      input_output_aliases={0: 0},
  )(prev, jd_e, cv_e, wcomb, bc, w1, b1, w2, b2)


@jax.jit
def kernel(jd, cv, jd_table, cv_table, W_combine, b_combine, W1, b1, W2, b2):
  bc = b_combine.reshape(1, H)
  b1r = b1.reshape(1, H)
  b2r = b2.reshape(1, 1)
  wcomb = W_combine.astype(jnp.bfloat16)
  w1 = W1.astype(jnp.bfloat16)
  w2 = W2.astype(jnp.bfloat16)
  out = jnp.zeros((B, 1), jnp.float32)
  for g in range(G):
    jd_e, cv_e = _sc_gather(jd, cv, jd_table, cv_table, g * BCH)
    out = _mlp(out, jd_e, cv_e, wcomb, bc, w1, b1r, w2, b2r, g)
  return out

# --- scband reference (transcript-rebuilt; emitter-appended) ---
"""Pipeline reference for scband-model-66881230733787 (READ-ONLY COPY).

The authoritative reference and input builder live on the scoring server;
editing this copy changes nothing except your own understanding.
"""

import jax, jax.numpy as jnp
import numpy as np

B = 4096
V = 100000
D = 1536
H = 512

def setup_inputs(seed: int = 0) -> dict:
    key = jax.random.key(seed)
    ks = jax.random.split(key, 12)
    jd = jax.random.randint(ks[0], (B,), 0, V, dtype=jnp.int64 if jax.config.jax_enable_x64 else jnp.int32).astype(jnp.int32)
    cv = jax.random.randint(ks[1], (B,), 0, V, dtype=jnp.int64 if jax.config.jax_enable_x64 else jnp.int32).astype(jnp.int32)
    jd_table = jax.random.normal(ks[2], (V, D), dtype=jnp.float32) * 0.02
    cv_table = jax.random.normal(ks[3], (V, D), dtype=jnp.float32) * 0.02
    W_combine = jax.random.normal(ks[4], (2 * D, H), dtype=jnp.float32) * (1.0 / np.sqrt(2 * D))
    b_combine = jnp.zeros((H,), dtype=jnp.float32)
    W1 = jax.random.normal(ks[5], (H, H), dtype=jnp.float32) * (1.0 / np.sqrt(H))
    b1 = jnp.zeros((H,), dtype=jnp.float32)
    W2 = jax.random.normal(ks[6], (H, 1), dtype=jnp.float32) * (1.0 / np.sqrt(H))
    b2 = jnp.zeros((1,), dtype=jnp.float32)
    return {"jd": jd, "cv": cv, "jd_table": jd_table, "cv_table": cv_table,
            "W_combine": W_combine, "b_combine": b_combine,
            "W1": W1, "b1": b1, "W2": W2, "b2": b2}

def reference(jd, cv, jd_table, cv_table, W_combine, b_combine, W1, b1, W2, b2):
    # nn.Embedding lookups (frozen tables)
    jd_embeds = jnp.take(jd_table, jd, axis=0)  # [B, D]
    cv_embeds = jnp.take(cv_table, cv, axis=0)  # [B, D]
    # torch code does cat(dim=0) on per-sample 1-D embeddings -> feature concat; batched here
    x = jnp.concatenate([jd_embeds, cv_embeds], axis=-1)  # [B, 2D]
    x = x @ W_combine + b_combine
    x = jax.nn.leaky_relu(x, negative_slope=0.01)
    x = x @ W1 + b1
    x = jax.nn.leaky_relu(x, negative_slope=0.01)
    x = x @ W2 + b2
    return x  # [B, 1]

if __name__ == "__main__":
    import jax
    _d = setup_inputs()
    print(jax.jit(kernel)(*tuple(_d.values())))

</pallas_src>

<mosaic_0001>
#map = affine_map<(d0, d1) -> (0)>
#map1 = affine_map<(d0, d1) -> (0, 0)>
module attributes {stable_mosaic.version = 14 : i64} {
  func.func @_sc_gather_body(%arg0: i32, %arg1: i32, %arg2: memref<4096xi32, #tpu.memory_space<hbm>>, %arg3: memref<4096xi32, #tpu.memory_space<hbm>>, %arg4: memref<100000x1536xf32, #tpu.memory_space<hbm>>, %arg5: memref<100000x1536xf32, #tpu.memory_space<hbm>>, %arg6: memref<2048x1536xf32, #tpu.memory_space<hbm>>, %arg7: memref<2048x1536xf32, #tpu.memory_space<hbm>>, %arg8: memref<2x64xi32, #tpu.memory_space<vmem>>, %arg9: memref<16x1536xf32, #tpu.memory_space<vmem>>, %arg10: memref<16x1536xf32, #tpu.memory_space<vmem>>, %arg11: memref<16x1536xf32, #tpu.memory_space<vmem>>, %arg12: memref<16x1536xf32, #tpu.memory_space<vmem>>, %arg13: memref<!tpu.dma_semaphore, #tpu.memory_space<semaphore_mem>>, %arg14: memref<!tpu.dma_semaphore, #tpu.memory_space<semaphore_mem>>, %arg15: memref<!tpu.dma_semaphore, #tpu.memory_space<semaphore_mem>>, %arg16: memref<!tpu.dma_semaphore, #tpu.memory_space<semaphore_mem>>, %arg17: memref<!tpu.dma_semaphore, #tpu.memory_space<semaphore_mem>>, %arg18: memref<!tpu.dma_semaphore, #tpu.memory_space<semaphore_mem>>, %arg19: memref<!tpu.dma_semaphore, #tpu.memory_space<semaphore_mem>>, %arg20: memref<!tpu.dma_semaphore, #tpu.memory_space<semaphore_mem>>) attributes {dimension_semantics = [#tpu.dimension_semantics<core_parallel>, #tpu.dimension_semantics<subcore_parallel>], iteration_bounds = array<i64: 2, 16>, scalar_prefetch = 0 : i64, scratch_operands = 13 : i64, tpu.core_type = #tpu.core_type<sc_vector_subcore>, window_params = [{transform_indices = #map}, {transform_indices = #map}, {transform_indices = #map1}, {transform_indices = #map1}, {transform_indices = #map1}, {transform_indices = #map1}]} {
    %mul3A = arith.constant 2 : i32
    %mul3A_0 = arith.muli %arg1, %mul3A : i32
    %add3A = arith.addi %mul3A_0, %arg0 : i32
    %mul3A_1 = arith.constant 64 : i32
    %mul3A_2 = arith.muli %add3A, %mul3A_1 : i32
    %add3A_3 = arith.constant 0 : i32
    %add3A_4 = arith.addi %add3A_3, %mul3A_2 : i32
    %run_scoped3A = arith.constant 0 : i32
    "tpu.region"() ({
      %run_scoped3A_198 = tpu.sem_alloc : memref<!tpu.dma_semaphore, #tpu.memory_space<semaphore_mem>>
      %dma_start3A_199 = arith.constant 0 : i32
      %dma_start3A_200 = tpu.memref_slice %arg8[%run_scoped3A, %dma_start3A_199] : memref<2x64xi32, #tpu.memory_space<vmem>> -> memref<1x64xi32, #tpu.memory_space<vmem>>
      %dma_start3A_201 = tpu.memref_squeeze %dma_start3A_200 : memref<1x64xi32, #tpu.memory_space<vmem>> -> memref<64xi32, #tpu.memory_space<vmem>>
      %dma_start3A_202 = tpu.memref_slice %arg2[%add3A_4] : memref<4096xi32, #tpu.memory_space<hbm>> -> memref<64xi32, #tpu.memory_space<hbm>>
      %dma_start3A_203 = arith.constant 0 : i32
      %dma_start3A_204 = tpu.memref_slice %arg8[%run_scoped3A, %dma_start3A_203] : memref<2x64xi32, #tpu.memory_space<vmem>> -> memref<1x64xi32, #tpu.memory_space<vmem>>
      %dma_start3A_205 = tpu.memref_squeeze %dma_start3A_204 : memref<1x64xi32, #tpu.memory_space<vmem>> -> memref<64xi32, #tpu.memory_space<vmem>>
      %dma_start3A_206 = tpu.memref_slice %arg2[%add3A_4] : memref<4096xi32, #tpu.memory_space<hbm>> -> memref<64xi32, #tpu.memory_space<hbm>>
      tpu.enqueue_dma source(%dma_start3A_206 : memref<64xi32, #tpu.memory_space<hbm>>) target(%dma_start3A_205 : memref<64xi32, #tpu.memory_space<vmem>>) target_semaphore(%run_scoped3A_198 : memref<!tpu.dma_semaphore, #tpu.memory_space<semaphore_mem>>)
      %dma_wait3A_207 = arith.constant 0 : i32
      %dma_wait3A_208 = tpu.memref_slice %arg8[%run_scoped3A, %dma_wait3A_207] : memref<2x64xi32, #tpu.memory_space<vmem>> -> memref<1x64xi32, #tpu.memory_space<vmem>>
      %dma_wait3A_209 = tpu.memref_squeeze %dma_wait3A_208 : memref<1x64xi32, #tpu.memory_space<vmem>> -> memref<64xi32, #tpu.memory_space<vmem>>
      %dma_wait3A_210 = tpu.memref_slice %arg2[%add3A_4] : memref<4096xi32, #tpu.memory_space<hbm>> -> memref<64xi32, #tpu.memory_space<hbm>>
      %dma_wait3A_211 = arith.constant 0 : i32
      %dma_wait3A_212 = tpu.memref_slice %arg8[%run_scoped3A, %dma_wait3A_211] : memref<2x64xi32, #tpu.memory_space<vmem>> -> memref<1x64xi32, #tpu.memory_space<vmem>>
      %dma_wait3A_213 = tpu.memref_squeeze %dma_wait3A_212 : memref<1x64xi32, #tpu.memory_space<vmem>> -> memref<64xi32, #tpu.memory_space<vmem>>
      %dma_wait3A_214 = tpu.memref_slice %arg2[%add3A_4] : memref<4096xi32, #tpu.memory_space<hbm>> -> memref<64xi32, #tpu.memory_space<hbm>>
      tpu.wait_dma2 semaphore(%run_scoped3A_198 : memref<!tpu.dma_semaphore, #tpu.memory_space<semaphore_mem>>) src(%dma_wait3A_214 : memref<64xi32, #tpu.memory_space<hbm>>) dst(%dma_wait3A_213 : memref<64xi32, #tpu.memory_space<vmem>>)
      tpu.yield
    }) : () -> ()
    %add3A_5 = arith.constant 0 : i32
    %add3A_6 = arith.addi %add3A_5, %mul3A_2 : i32
    %run_scoped3A_7 = arith.constant 1 : i32
    "tpu.region"() ({
      %run_scoped3A_198 = tpu.sem_alloc : memref<!tpu.dma_semaphore, #tpu.memory_space<semaphore_mem>>
      %dma_start3A_199 = arith.constant 0 : i32
      %dma_start3A_200 = tpu.memref_slice %arg8[%run_scoped3A_7, %dma_start3A_199] : memref<2x64xi32, #tpu.memory_space<vmem>> -> memref<1x64xi32, #tpu.memory_space<vmem>>
      %dma_start3A_201 = tpu.memref_squeeze %dma_start3A_200 : memref<1x64xi32, #tpu.memory_space<vmem>> -> memref<64xi32, #tpu.memory_space<vmem>>
      %dma_start3A_202 = tpu.memref_slice %arg3[%add3A_6] : memref<4096xi32, #tpu.memory_space<hbm>> -> memref<64xi32, #tpu.memory_space<hbm>>
      %dma_start3A_203 = arith.constant 0 : i32
      %dma_start3A_204 = tpu.memref_slice %arg8[%run_scoped3A_7, %dma_start3A_203] : memref<2x64xi32, #tpu.memory_space<vmem>> -> memref<1x64xi32, #tpu.memory_space<vmem>>
      %dma_start3A_205 = tpu.memref_squeeze %dma_start3A_204 : memref<1x64xi32, #tpu.memory_space<vmem>> -> memref<64xi32, #tpu.memory_space<vmem>>
      %dma_start3A_206 = tpu.memref_slice %arg3[%add3A_6] : memref<4096xi32, #tpu.memory_space<hbm>> -> memref<64xi32, #tpu.memory_space<hbm>>
      tpu.enqueue_dma source(%dma_start3A_206 : memref<64xi32, #tpu.memory_space<hbm>>) target(%dma_start3A_205 : memref<64xi32, #tpu.memory_space<vmem>>) target_semaphore(%run_scoped3A_198 : memref<!tpu.dma_semaphore, #tpu.memory_space<semaphore_mem>>)
      %dma_wait3A_207 = arith.constant 0 : i32
      %dma_wait3A_208 = tpu.memref_slice %arg8[%run_scoped3A_7, %dma_wait3A_207] : memref<2x64xi32, #tpu.memory_space<vmem>> -> memref<1x64xi32, #tpu.memory_space<vmem>>
      %dma_wait3A_209 = tpu.memref_squeeze %dma_wait3A_208 : memref<1x64xi32, #tpu.memory_space<vmem>> -> memref<64xi32, #tpu.memory_space<vmem>>
      %dma_wait3A_210 = tpu.memref_slice %arg3[%add3A_6] : memref<4096xi32, #tpu.memory_space<hbm>> -> memref<64xi32, #tpu.memory_space<hbm>>
      %dma_wait3A_211 = arith.constant 0 : i32
      %dma_wait3A_212 = tpu.memref_slice %arg8[%run_scoped3A_7, %dma_wait3A_211] : memref<2x64xi32, #tpu.memory_space<vmem>> -> memref<1x64xi32, #tpu.memory_space<vmem>>
      %dma_wait3A_213 = tpu.memref_squeeze %dma_wait3A_212 : memref<1x64xi32, #tpu.memory_space<vmem>> -> memref<64xi32, #tpu.memory_space<vmem>>
      %dma_wait3A_214 = tpu.memref_slice %arg3[%add3A_6] : memref<4096xi32, #tpu.memory_space<hbm>> -> memref<64xi32, #tpu.memory_space<hbm>>
      tpu.wait_dma2 semaphore(%run_scoped3A_198 : memref<!tpu.dma_semaphore, #tpu.memory_space<semaphore_mem>>) src(%dma_wait3A_214 : memref<64xi32, #tpu.memory_space<hbm>>) dst(%dma_wait3A_213 : memref<64xi32, #tpu.memory_space<vmem>>)
      tpu.yield
    }) : () -> ()
    %dma_start3A = arith.constant 0 : i32
    %dma_start3A_8 = arith.constant 0 : i32
    %dma_start3A_9 = tpu.memref_slice %arg8[%dma_start3A, %dma_start3A_8] : memref<2x64xi32, #tpu.memory_space<vmem>> -> memref<1x16xi32, #tpu.memory_space<vmem>>
    %dma_start3A_10 = tpu.memref_squeeze %dma_start3A_9 : memref<1x16xi32, #tpu.memory_space<vmem>> -> memref<16xi32, #tpu.memory_space<vmem>>
    %dma_start3A_11 = arith.constant 0 : i32
    %dma_start3A_12 = arith.constant 0 : i32
    %dma_start3A_13 = tpu.memref_slice %arg4[%dma_start3A_11, %dma_start3A_12] : memref<100000x1536xf32, #tpu.memory_space<hbm>> -> memref<100000x1536xf32, #tpu.memory_space<hbm>>
    tpu.enqueue_indirect_dma source(%dma_start3A_13 : memref<100000x1536xf32, #tpu.memory_space<hbm>>) target(%arg9 : memref<16x1536xf32, #tpu.memory_space<vmem>>) offsets(%dma_start3A_10 : memref<16xi32, #tpu.memory_space<vmem>>) semaphore(%arg13 : memref<!tpu.dma_semaphore, #tpu.memory_space<semaphore_mem>>)
    %dma_start3A_14 = arith.constant 0 : i32
    %dma_start3A_15 = arith.constant 16 : i32
    %dma_start3A_16 = tpu.memref_slice %arg8[%dma_start3A_14, %dma_start3A_15] : memref<2x64xi32, #tpu.memory_space<vmem>> -> memref<1x16xi32, #tpu.memory_space<vmem>>
    %dma_start3A_17 = tpu.memref_squeeze %dma_start3A_16 : memref<1x16xi32, #tpu.memory_space<vmem>> -> memref<16xi32, #tpu.memory_space<vmem>>
    %dma_start3A_18 = arith.constant 0 : i32
    %dma_start3A_19 = arith.constant 0 : i32
    %dma_start3A_20 = tpu.memref_slice %arg4[%dma_start3A_18, %dma_start3A_19] : memref<100000x1536xf32, #tpu.memory_space<hbm>> -> memref<100000x1536xf32, #tpu.memory_space<hbm>>
    tpu.enqueue_indirect_dma source(%dma_start3A_20 : memref<100000x1536xf32, #tpu.memory_space<hbm>>) target(%arg10 : memref<16x1536xf32, #tpu.memory_space<vmem>>) offsets(%dma_start3A_17 : memref<16xi32, #tpu.memory_space<vmem>>) semaphore(%arg14 : memref<!tpu.dma_semaphore, #tpu.memory_space<semaphore_mem>>)
    %dma_wait3A = arith.constant 0 : i32
    %dma_wait3A_21 = arith.constant 0 : i32
    %dma_wait3A_22 = tpu.memref_slice %arg8[%dma_wait3A, %dma_wait3A_21] : memref<2x64xi32, #tpu.memory_space<vmem>> -> memref<1x16xi32, #tpu.memory_space<vmem>>
    %dma_wait3A_23 = tpu.memref_squeeze %dma_wait3A_22 : memref<1x16xi32, #tpu.memory_space<vmem>> -> memref<16xi32, #tpu.memory_space<vmem>>
    %dma_wait3A_24 = arith.constant 0 : i32
    %dma_wait3A_25 = arith.constant 0 : i32
    %dma_wait3A_26 = tpu.memref_slice %arg4[%dma_wait3A_24, %dma_wait3A_25] : memref<100000x1536xf32, #tpu.memory_space<hbm>> -> memref<100000x1536xf32, #tpu.memory_space<hbm>>
    tpu.wait_indirect_dma semaphore(%arg13 : memref<!tpu.dma_semaphore, #tpu.memory_space<semaphore_mem>>) src(%dma_wait3A_26 : memref<100000x1536xf32, #tpu.memory_space<hbm>>) dst(%arg9 : memref<16x1536xf32, #tpu.memory_space<vmem>>)
    %add3A_27 = arith.constant 0 : i32
    %add3A_28 = arith.addi %mul3A_2, %add3A_27 : i32
    %dma_start3A_29 = arith.constant 0 : i32
    %dma_start3A_30 = tpu.memref_slice %arg6[%add3A_28, %dma_start3A_29] : memref<2048x1536xf32, #tpu.memory_space<hbm>> -> memref<16x1536xf32, #tpu.memory_space<hbm>>
    %dma_start3A_31 = arith.constant 0 : i32
    %dma_start3A_32 = tpu.memref_slice %arg6[%add3A_28, %dma_start3A_31] : memref<2048x1536xf32, #tpu.memory_space<hbm>> -> memref<16x1536xf32, #tpu.memory_space<hbm>>
    tpu.enqueue_dma source(%arg9 : memref<16x1536xf32, #tpu.memory_space<vmem>>) target(%dma_start3A_32 : memref<16x1536xf32, #tpu.memory_space<hbm>>) target_semaphore(%arg17 : memref<!tpu.dma_semaphore, #tpu.memory_space<semaphore_mem>>)
    %dma_start3A_33 = arith.constant 0 : i32
    %dma_start3A_34 = arith.constant 32 : i32
    %dma_start3A_35 = tpu.memref_slice %arg8[%dma_start3A_33, %dma_start3A_34] : memref<2x64xi32, #tpu.memory_space<vmem>> -> memref<1x16xi32, #tpu.memory_space<vmem>>
    %dma_start3A_36 = tpu.memref_squeeze %dma_start3A_35 : memref<1x16xi32, #tpu.memory_space<vmem>> -> memref<16xi32, #tpu.memory_space<vmem>>
    %dma_start3A_37 = arith.constant 0 : i32
    %dma_start3A_38 = arith.constant 0 : i32
    %dma_start3A_39 = tpu.memref_slice %arg4[%dma_start3A_37, %dma_start3A_38] : memref<100000x1536xf32, #tpu.memory_space<hbm>> -> memref<100000x1536xf32, #tpu.memory_space<hbm>>
    tpu.enqueue_indirect_dma source(%dma_start3A_39 : memref<100000x1536xf32, #tpu.memory_space<hbm>>) target(%arg11 : memref<16x1536xf32, #tpu.memory_space<vmem>>) offsets(%dma_start3A_36 : memref<16xi32, #tpu.memory_space<vmem>>) semaphore(%arg15 : memref<!tpu.dma_semaphore, #tpu.memory_space<semaphore_mem>>)
    %dma_wait3A_40 = arith.constant 0 : i32
    %dma_wait3A_41 = arith.constant 16 : i32
    %dma_wait3A_42 = tpu.memref_slice %arg8[%dma_wait3A_40, %dma_wait3A_41] : memref<2x64xi32, #tpu.memory_space<vmem>> -> memref<1x16xi32, #tpu.memory_space<vmem>>
    %dma_wait3A_43 = tpu.memref_squeeze %dma_wait3A_42 : memref<1x16xi32, #tpu.memory_space<vmem>> -> memref<16xi32, #tpu.memory_space<vmem>>
    %dma_wait3A_44 = arith.constant 0 : i32
    %dma_wait3A_45 = arith.constant 0 : i32
    %dma_wait3A_46 = tpu.memref_slice %arg4[%dma_wait3A_44, %dma_wait3A_45] : memref<100000x1536xf32, #tpu.memory_space<hbm>> -> memref<100000x1536xf32, #tpu.memory_space<hbm>>
    tpu.wait_indirect_dma semaphore(%arg14 : memref<!tpu.dma_semaphore, #tpu.memory_space<semaphore_mem>>) src(%dma_wait3A_46 : memref<100000x1536xf32, #tpu.memory_space<hbm>>) dst(%arg10 : memref<16x1536xf32, #tpu.memory_space<vmem>>)
    %add3A_47 = arith.constant 16 : i32
    %add3A_48 = arith.addi %mul3A_2, %add3A_47 : i32
    %dma_start3A_49 = arith.constant 0 : i32
    %dma_start3A_50 = tpu.memref_slice %arg6[%add3A_48, %dma_start3A_49] : memref<2048x1536xf32, #tpu.memory_space<hbm>> -> memref<16x1536xf32, #tpu.memory_space<hbm>>
    %dma_start3A_51 = arith.constant 0 : i32
    %dma_start3A_52 = tpu.memref_slice %arg6[%add3A_48, %dma_start3A_51] : memref<2048x1536xf32, #tpu.memory_space<hbm>> -> memref<16x1536xf32, #tpu.memory_space<hbm>>
    tpu.enqueue_dma source(%arg10 : memref<16x1536xf32, #tpu.memory_space<vmem>>) target(%dma_start3A_52 : memref<16x1536xf32, #tpu.memory_space<hbm>>) target_semaphore(%arg18 : memref<!tpu.dma_semaphore, #tpu.memory_space<semaphore_mem>>)
    %dma_start3A_53 = arith.constant 0 : i32
    %dma_start3A_54 = arith.constant 48 : i32
    %dma_start3A_55 = tpu.memref_slice %arg8[%dma_start3A_53, %dma_start3A_54] : memref<2x64xi32, #tpu.memory_space<vmem>> -> memref<1x16xi32, #tpu.memory_space<vmem>>
    %dma_start3A_56 = tpu.memref_squeeze %dma_start3A_55 : memref<1x16xi32, #tpu.memory_space<vmem>> -> memref<16xi32, #tpu.memory_space<vmem>>
    %dma_start3A_57 = arith.constant 0 : i32
    %dma_start3A_58 = arith.constant 0 : i32
    %dma_start3A_59 = tpu.memref_slice %arg4[%dma_start3A_57, %dma_start3A_58] : memref<100000x1536xf32, #tpu.memory_space<hbm>> -> memref<100000x1536xf32, #tpu.memory_space<hbm>>
    tpu.enqueue_indirect_dma source(%dma_start3A_59 : memref<100000x1536xf32, #tpu.memory_space<hbm>>) target(%arg12 : memref<16x1536xf32, #tpu.memory_space<vmem>>) offsets(%dma_start3A_56 : memref<16xi32, #tpu.memory_space<vmem>>) semaphore(%arg16 : memref<!tpu.dma_semaphore, #tpu.memory_space<semaphore_mem>>)
    %dma_wait3A_60 = arith.constant 0 : i32
    %dma_wait3A_61 = arith.constant 32 : i32
    %dma_wait3A_62 = tpu.memref_slice %arg8[%dma_wait3A_60, %dma_wait3A_61] : memref<2x64xi32, #tpu.memory_space<vmem>> -> memref<1x16xi32, #tpu.memory_space<vmem>>
    %dma_wait3A_63 = tpu.memref_squeeze %dma_wait3A_62 : memref<1x16xi32, #tpu.memory_space<vmem>> -> memref<16xi32, #tpu.memory_space<vmem>>
    %dma_wait3A_64 = arith.constant 0 : i32
    %dma_wait3A_65 = arith.constant 0 : i32
    %dma_wait3A_66 = tpu.memref_slice %arg4[%dma_wait3A_64, %dma_wait3A_65] : memref<100000x1536xf32, #tpu.memory_space<hbm>> -> memref<100000x1536xf32, #tpu.memory_space<hbm>>
    tpu.wait_indirect_dma semaphore(%arg15 : memref<!tpu.dma_semaphore, #tpu.memory_space<semaphore_mem>>) src(%dma_wait3A_66 : memref<100000x1536xf32, #tpu.memory_space<hbm>>) dst(%arg11 : memref<16x1536xf32, #tpu.memory_space<vmem>>)
    %add3A_67 = arith.constant 32 : i32
    %add3A_68 = arith.addi %mul3A_2, %add3A_67 : i32
    %dma_start3A_69 = arith.constant 0 : i32
    %dma_start3A_70 = tpu.memref_slice %arg6[%add3A_68, %dma_start3A_69] : memref<2048x1536xf32, #tpu.memory_space<hbm>> -> memref<16x1536xf32, #tpu.memory_space<hbm>>
    %dma_start3A_71 = arith.constant 0 : i32
    %dma_start3A_72 = tpu.memref_slice %arg6[%add3A_68, %dma_start3A_71] : memref<2048x1536xf32, #tpu.memory_space<hbm>> -> memref<16x1536xf32, #tpu.memory_space<hbm>>
    tpu.enqueue_dma source(%arg11 : memref<16x1536xf32, #tpu.memory_space<vmem>>) target(%dma_start3A_72 : memref<16x1536xf32, #tpu.memory_space<hbm>>) target_semaphore(%arg19 : memref<!tpu.dma_semaphore, #tpu.memory_space<semaphore_mem>>)
    %dma_wait3A_73 = arith.constant 0 : i32
    %dma_wait3A_74 = tpu.memref_slice %arg6[%add3A_28, %dma_wait3A_73] : memref<2048x1536xf32, #tpu.memory_space<hbm>> -> memref<16x1536xf32, #tpu.memory_space<hbm>>
    %dma_wait3A_75 = arith.constant 0 : i32
    %dma_wait3A_76 = tpu.memref_slice %arg6[%add3A_28, %dma_wait3A_75] : memref<2048x1536xf32, #tpu.memory_space<hbm>> -> memref<16x1536xf32, #tpu.memory_space<hbm>>
    tpu.wait_dma2 semaphore(%arg17 : memref<!tpu.dma_semaphore, #tpu.memory_space<semaphore_mem>>) src(%arg9 : memref<16x1536xf32, #tpu.memory_space<vmem>>) dst(%dma_wait3A_76 : memref<16x1536xf32, #tpu.memory_space<hbm>>)
    %dma_start3A_77 = arith.constant 1 : i32
    %dma_start3A_78 = arith.constant 0 : i32
    %dma_start3A_79 = tpu.memref_slice %arg8[%dma_start3A_77, %dma_start3A_78] : memref<2x64xi32, #tpu.memory_space<vmem>> -> memref<1x16xi32, #tpu.memory_space<vmem>>
    %dma_start3A_80 = tpu.memref_squeeze %dma_start3A_79 : memref<1x16xi32, #tpu.memory_space<vmem>> -> memref<16xi32, #tpu.memory_space<vmem>>
    %dma_start3A_81 = arith.constant 0 : i32
    %dma_start3A_82 = arith.constant 0 : i32
    %dma_start3A_83 = tpu.memref_slice %arg5[%dma_start3A_81, %dma_start3A_82] : memref<100000x1536xf32, #tpu.memory_space<hbm>> -> memref<100000x1536xf32, #tpu.memory_space<hbm>>
    tpu.enqueue_indirect_dma source(%dma_start3A_83 : memref<100000x1536xf32, #tpu.memory_space<hbm>>) target(%arg9 : memref<16x1536xf32, #tpu.memory_space<vmem>>) offsets(%dma_start3A_80 : memref<16xi32, #tpu.memory_space<vmem>>) semaphore(%arg13 : memref<!tpu.dma_semaphore, #tpu.memory_space<semaphore_mem>>)
    %dma_wait3A_84 = arith.constant 0 : i32
    %dma_wait3A_85 = arith.constant 48 : i32
    %dma_wait3A_86 = tpu.memref_slice %arg8[%dma_wait3A_84, %dma_wait3A_85] : memref<2x64xi32, #tpu.memory_space<vmem>> -> memref<1x16xi32, #tpu.memory_space<vmem>>
    %dma_wait3A_87 = tpu.memref_squeeze %dma_wait3A_86 : memref<1x16xi32, #tpu.memory_space<vmem>> -> memref<16xi32, #tpu.memory_space<vmem>>
    %dma_wait3A_88 = arith.constant 0 : i32
    %dma_wait3A_89 = arith.constant 0 : i32
    %dma_wait3A_90 = tpu.memref_slice %arg4[%dma_wait3A_88, %dma_wait3A_89] : memref<100000x1536xf32, #tpu.memory_space<hbm>> -> memref<100000x1536xf32, #tpu.memory_space<hbm>>
    tpu.wait_indirect_dma semaphore(%arg16 : memref<!tpu.dma_semaphore, #tpu.memory_space<semaphore_mem>>) src(%dma_wait3A_90 : memref<100000x1536xf32, #tpu.memory_space<hbm>>) dst(%arg12 : memref<16x1536xf32, #tpu.memory_space<vmem>>)
    %add3A_91 = arith.constant 48 : i32
    %add3A_92 = arith.addi %mul3A_2, %add3A_91 : i32
    %dma_start3A_93 = arith.constant 0 : i32
    %dma_start3A_94 = tpu.memref_slice %arg6[%add3A_92, %dma_start3A_93] : memref<2048x1536xf32, #tpu.memory_space<hbm>> -> memref<16x1536xf32, #tpu.memory_space<hbm>>
    %dma_start3A_95 = arith.constant 0 : i32
    %dma_start3A_96 = tpu.memref_slice %arg6[%add3A_92, %dma_start3A_95] : memref<2048x1536xf32, #tpu.memory_space<hbm>> -> memref<16x1536xf32, #tpu.memory_space<hbm>>
    tpu.enqueue_dma source(%arg12 : memref<16x1536xf32, #tpu.memory_space<vmem>>) target(%dma_start3A_96 : memref<16x1536xf32, #tpu.memory_space<hbm>>) target_semaphore(%arg20 : memref<!tpu.dma_semaphore, #tpu.memory_space<semaphore_mem>>)
    %dma_wait3A_97 = arith.constant 0 : i32
    %dma_wait3A_98 = tpu.memref_slice %arg6[%add3A_48, %dma_wait3A_97] : memref<2048x1536xf32, #tpu.memory_space<hbm>> -> memref<16x1536xf32, #tpu.memory_space<hbm>>
    %dma_wait3A_99 = arith.constant 0 : i32
    %dma_wait3A_100 = tpu.memref_slice %arg6[%add3A_48, %dma_wait3A_99] : memref<2048x1536xf32, #tpu.memory_space<hbm>> -> memref<16x1536xf32, #tpu.memory_space<hbm>>
    tpu.wait_dma2 semaphore(%arg18 : memref<!tpu.dma_semaphore, #tpu.memory_space<semaphore_mem>>) src(%arg10 : memref<16x1536xf32, #tpu.memory_space<vmem>>) dst(%dma_wait3A_100 : memref<16x1536xf32, #tpu.memory_space<hbm>>)
    %dma_start3A_101 = arith.constant 1 : i32
    %dma_start3A_102 = arith.constant 16 : i32
    %dma_start3A_103 = tpu.memref_slice %arg8[%dma_start3A_101, %dma_start3A_102] : memref<2x64xi32, #tpu.memory_space<vmem>> -> memref<1x16xi32, #tpu.memory_space<vmem>>
    %dma_start3A_104 = tpu.memref_squeeze %dma_start3A_103 : memref<1x16xi32, #tpu.memory_space<vmem>> -> memref<16xi32, #tpu.memory_space<vmem>>
    %dma_start3A_105 = arith.constant 0 : i32
    %dma_start3A_106 = arith.constant 0 : i32
    %dma_start3A_107 = tpu.memref_slice %arg5[%dma_start3A_105, %dma_start3A_106] : memref<100000x1536xf32, #tpu.memory_space<hbm>> -> memref<100000x1536xf32, #tpu.memory_space<hbm>>
    tpu.enqueue_indirect_dma source(%dma_start3A_107 : memref<100000x1536xf32, #tpu.memory_space<hbm>>) target(%arg10 : memref<16x1536xf32, #tpu.memory_space<vmem>>) offsets(%dma_start3A_104 : memref<16xi32, #tpu.memory_space<vmem>>) semaphore(%arg14 : memref<!tpu.dma_semaphore, #tpu.memory_space<semaphore_mem>>)
    %dma_wait3A_108 = arith.constant 1 : i32
    %dma_wait3A_109 = arith.constant 0 : i32
    %dma_wait3A_110 = tpu.memref_slice %arg8[%dma_wait3A_108, %dma_wait3A_109] : memref<2x64xi32, #tpu.memory_space<vmem>> -> memref<1x16xi32, #tpu.memory_space<vmem>>
    %dma_wait3A_111 = tpu.memref_squeeze %dma_wait3A_110 : memref<1x16xi32, #tpu.memory_space<vmem>> -> memref<16xi32, #tpu.memory_space<vmem>>
    %dma_wait3A_112 = arith.constant 0 : i32
    %dma_wait3A_113 = arith.constant 0 : i32
    %dma_wait3A_114 = tpu.memref_slice %arg5[%dma_wait3A_112, %dma_wait3A_113] : memref<100000x1536xf32, #tpu.memory_space<hbm>> -> memref<100000x1536xf32, #tpu.memory_space<hbm>>
    tpu.wait_indirect_dma semaphore(%arg13 : memref<!tpu.dma_semaphore, #tpu.memory_space<semaphore_mem>>) src(%dma_wait3A_114 : memref<100000x1536xf32, #tpu.memory_space<hbm>>) dst(%arg9 : memref<16x1536xf32, #tpu.memory_space<vmem>>)
    %add3A_115 = arith.constant 0 : i32
    %add3A_116 = arith.addi %mul3A_2, %add3A_115 : i32
    %dma_start3A_117 = arith.constant 0 : i32
    %dma_start3A_118 = tpu.memref_slice %arg7[%add3A_116, %dma_start3A_117] : memref<2048x1536xf32, #tpu.memory_space<hbm>> -> memref<16x1536xf32, #tpu.memory_space<hbm>>
    %dma_start3A_119 = arith.constant 0 : i32
    %dma_start3A_120 = tpu.memref_slice %arg7[%add3A_116, %dma_start3A_119] : memref<2048x1536xf32, #tpu.memory_space<hbm>> -> memref<16x1536xf32, #tpu.memory_space<hbm>>
    tpu.enqueue_dma source(%arg9 : memref<16x1536xf32, #tpu.memory_space<vmem>>) target(%dma_start3A_120 : memref<16x1536xf32, #tpu.memory_space<hbm>>) target_semaphore(%arg17 : memref<!tpu.dma_semaphore, #tpu.memory_space<semaphore_mem>>)
    %dma_wait3A_121 = arith.constant 0 : i32
    %dma_wait3A_122 = tpu.memref_slice %arg6[%add3A_68, %dma_wait3A_121] : memref<2048x1536xf32, #tpu.memory_space<hbm>> -> memref<16x1536xf32, #tpu.memory_space<hbm>>
    %dma_wait3A_123 = arith.constant 0 : i32
    %dma_wait3A_124 = tpu.memref_slice %arg6[%add3A_68, %dma_wait3A_123] : memref<2048x1536xf32, #tpu.memory_space<hbm>> -> memref<16x1536xf32, #tpu.memory_space<hbm>>
    tpu.wait_dma2 semaphore(%arg19 : memref<!tpu.dma_semaphore, #tpu.memory_space<semaphore_mem>>) src(%arg11 : memref<16x1536xf32, #tpu.memory_space<vmem>>) dst(%dma_wait3A_124 : memref<16x1536xf32, #tpu.memory_space<hbm>>)
    %dma_start3A_125 = arith.constant 1 : i32
    %dma_start3A_126 = arith.constant 32 : i32
    %dma_start3A_127 = tpu.memref_slice %arg8[%dma_start3A_125, %dma_start3A_126] : memref<2x64xi32, #tpu.memory_space<vmem>> -> memref<1x16xi32, #tpu.memory_space<vmem>>
    %dma_start3A_128 = tpu.memref_squeeze %dma_start3A_127 : memref<1x16xi32, #tpu.memory_space<vmem>> -> memref<16xi32, #tpu.memory_space<vmem>>
    %dma_start3A_129 = arith.constant 0 : i32
    %dma_start3A_130 = arith.constant 0 : i32
    %dma_start3A_131 = tpu.memref_slice %arg5[%dma_start3A_129, %dma_start3A_130] : memref<100000x1536xf32, #tpu.memory_space<hbm>> -> memref<100000x1536xf32, #tpu.memory_space<hbm>>
    tpu.enqueue_indirect_dma source(%dma_start3A_131 : memref<100000x1536xf32, #tpu.memory_space<hbm>>) target(%arg11 : memref<16x1536xf32, #tpu.memory_space<vmem>>) offsets(%dma_start3A_128 : memref<16xi32, #tpu.memory_space<vmem>>) semaphore(%arg15 : memref<!tpu.dma_semaphore, #tpu.memory_space<semaphore_mem>>)
    %dma_wait3A_132 = arith.constant 1 : i32
    %dma_wait3A_133 = arith.constant 16 : i32
    %dma_wait3A_134 = tpu.memref_slice %arg8[%dma_wait3A_132, %dma_wait3A_133] : memref<2x64xi32, #tpu.memory_space<vmem>> -> memref<1x16xi32, #tpu.memory_space<vmem>>
    %dma_wait3A_135 = tpu.memref_squeeze %dma_wait3A_134 : memref<1x16xi32, #tpu.memory_space<vmem>> -> memref<16xi32, #tpu.memory_space<vmem>>
    %dma_wait3A_136 = arith.constant 0 : i32
    %dma_wait3A_137 = arith.constant 0 : i32
    %dma_wait3A_138 = tpu.memref_slice %arg5[%dma_wait3A_136, %dma_wait3A_137] : memref<100000x1536xf32, #tpu.memory_space<hbm>> -> memref<100000x1536xf32, #tpu.memory_space<hbm>>
    tpu.wait_indirect_dma semaphore(%arg14 : memref<!tpu.dma_semaphore, #tpu.memory_space<semaphore_mem>>) src(%dma_wait3A_138 : memref<100000x1536xf32, #tpu.memory_space<hbm>>) dst(%arg10 : memref<16x1536xf32, #tpu.memory_space<vmem>>)
    %add3A_139 = arith.constant 16 : i32
    %add3A_140 = arith.addi %mul3A_2, %add3A_139 : i32
    %dma_start3A_141 = arith.constant 0 : i32
    %dma_start3A_142 = tpu.memref_slice %arg7[%add3A_140, %dma_start3A_141] : memref<2048x1536xf32, #tpu.memory_space<hbm>> -> memref<16x1536xf32, #tpu.memory_space<hbm>>
    %dma_start3A_143 = arith.constant 0 : i32
    %dma_start3A_144 = tpu.memref_slice %arg7[%add3A_140, %dma_start3A_143] : memref<2048x1536xf32, #tpu.memory_space<hbm>> -> memref<16x1536xf32, #tpu.memory_space<hbm>>
    tpu.enqueue_dma source(%arg10 : memref<16x1536xf32, #tpu.memory_space<vmem>>) target(%dma_start3A_144 : memref<16x1536xf32, #tpu.memory_space<hbm>>) target_semaphore(%arg18 : memref<!tpu.dma_semaphore, #tpu.memory_space<semaphore_mem>>)
    %dma_wait3A_145 = arith.constant 0 : i32
    %dma_wait3A_146 = tpu.memref_slice %arg6[%add3A_92, %dma_wait3A_145] : memref<2048x1536xf32, #tpu.memory_space<hbm>> -> memref<16x1536xf32, #tpu.memory_space<hbm>>
    %dma_wait3A_147 = arith.constant 0 : i32
    %dma_wait3A_148 = tpu.memref_slice %arg6[%add3A_92, %dma_wait3A_147] : memref<2048x1536xf32, #tpu.memory_space<hbm>> -> memref<16x1536xf32, #tpu.memory_space<hbm>>
    tpu.wait_dma2 semaphore(%arg20 : memref<!tpu.dma_semaphore, #tpu.memory_space<semaphore_mem>>) src(%arg12 : memref<16x1536xf32, #tpu.memory_space<vmem>>) dst(%dma_wait3A_148 : memref<16x1536xf32, #tpu.memory_space<hbm>>)
    %dma_start3A_149 = arith.constant 1 : i32
    %dma_start3A_150 = arith.constant 48 : i32
    %dma_start3A_151 = tpu.memref_slice %arg8[%dma_start3A_149, %dma_start3A_150] : memref<2x64xi32, #tpu.memory_space<vmem>> -> memref<1x16xi32, #tpu.memory_space<vmem>>
    %dma_start3A_152 = tpu.memref_squeeze %dma_start3A_151 : memref<1x16xi32, #tpu.memory_space<vmem>> -> memref<16xi32, #tpu.memory_space<vmem>>
    %dma_start3A_153 = arith.constant 0 : i32
    %dma_start3A_154 = arith.constant 0 : i32
    %dma_start3A_155 = tpu.memref_slice %arg5[%dma_start3A_153, %dma_start3A_154] : memref<100000x1536xf32, #tpu.memory_space<hbm>> -> memref<100000x1536xf32, #tpu.memory_space<hbm>>
    tpu.enqueue_indirect_dma source(%dma_start3A_155 : memref<100000x1536xf32, #tpu.memory_space<hbm>>) target(%arg12 : memref<16x1536xf32, #tpu.memory_space<vmem>>) offsets(%dma_start3A_152 : memref<16xi32, #tpu.memory_space<vmem>>) semaphore(%arg16 : memref<!tpu.dma_semaphore, #tpu.memory_space<semaphore_mem>>)
    %dma_wait3A_156 = arith.constant 1 : i32
    %dma_wait3A_157 = arith.constant 32 : i32
    %dma_wait3A_158 = tpu.memref_slice %arg8[%dma_wait3A_156, %dma_wait3A_157] : memref<2x64xi32, #tpu.memory_space<vmem>> -> memref<1x16xi32, #tpu.memory_space<vmem>>
    %dma_wait3A_159 = tpu.memref_squeeze %dma_wait3A_158 : memref<1x16xi32, #tpu.memory_space<vmem>> -> memref<16xi32, #tpu.memory_space<vmem>>
    %dma_wait3A_160 = arith.constant 0 : i32
    %dma_wait3A_161 = arith.constant 0 : i32
    %dma_wait3A_162 = tpu.memref_slice %arg5[%dma_wait3A_160, %dma_wait3A_161] : memref<100000x1536xf32, #tpu.memory_space<hbm>> -> memref<100000x1536xf32, #tpu.memory_space<hbm>>
    tpu.wait_indirect_dma semaphore(%arg15 : memref<!tpu.dma_semaphore, #tpu.memory_space<semaphore_mem>>) src(%dma_wait3A_162 : memref<100000x1536xf32, #tpu.memory_space<hbm>>) dst(%arg11 : memref<16x1536xf32, #tpu.memory_space<vmem>>)
    %add3A_163 = arith.constant 32 : i32
    %add3A_164 = arith.addi %mul3A_2, %add3A_163 : i32
    %dma_start3A_165 = arith.constant 0 : i32
    %dma_start3A_166 = tpu.memref_slice %arg7[%add3A_164, %dma_start3A_165] : memref<2048x1536xf32, #tpu.memory_space<hbm>> -> memref<16x1536xf32, #tpu.memory_space<hbm>>
    %dma_start3A_167 = arith.constant 0 : i32
    %dma_start3A_168 = tpu.memref_slice %arg7[%add3A_164, %dma_start3A_167] : memref<2048x1536xf32, #tpu.memory_space<hbm>> -> memref<16x1536xf32, #tpu.memory_space<hbm>>
    tpu.enqueue_dma source(%arg11 : memref<16x1536xf32, #tpu.memory_space<vmem>>) target(%dma_start3A_168 : memref<16x1536xf32, #tpu.memory_space<hbm>>) target_semaphore(%arg19 : memref<!tpu.dma_semaphore, #tpu.memory_space<semaphore_mem>>)
    %dma_wait3A_169 = arith.constant 1 : i32
    %dma_wait3A_170 = arith.constant 48 : i32
    %dma_wait3A_171 = tpu.memref_slice %arg8[%dma_wait3A_169, %dma_wait3A_170] : memref<2x64xi32, #tpu.memory_space<vmem>> -> memref<1x16xi32, #tpu.memory_space<vmem>>
    %dma_wait3A_172 = tpu.memref_squeeze %dma_wait3A_171 : memref<1x16xi32, #tpu.memory_space<vmem>> -> memref<16xi32, #tpu.memory_space<vmem>>
    %dma_wait3A_173 = arith.constant 0 : i32
    %dma_wait3A_174 = arith.constant 0 : i32
    %dma_wait3A_175 = tpu.memref_slice %arg5[%dma_wait3A_173, %dma_wait3A_174] : memref<100000x1536xf32, #tpu.memory_space<hbm>> -> memref<100000x1536xf32, #tpu.memory_space<hbm>>
    tpu.wait_indirect_dma semaphore(%arg16 : memref<!tpu.dma_semaphore, #tpu.memory_space<semaphore_mem>>) src(%dma_wait3A_175 : memref<100000x1536xf32, #tpu.memory_space<hbm>>) dst(%arg12 : memref<16x1536xf32, #tpu.memory_space<vmem>>)
    %add3A_176 = arith.constant 48 : i32
    %add3A_177 = arith.addi %mul3A_2, %add3A_176 : i32
    %dma_start3A_178 = arith.constant 0 : i32
    %dma_start3A_179 = tpu.memref_slice %arg7[%add3A_177, %dma_start3A_178] : memref<2048x1536xf32, #tpu.memory_space<hbm>> -> memref<16x1536xf32, #tpu.memory_space<hbm>>
    %dma_start3A_180 = arith.constant 0 : i32
    %dma_start3A_181 = tpu.memref_slice %arg7[%add3A_177, %dma_start3A_180] : memref<2048x1536xf32, #tpu.memory_space<hbm>> -> memref<16x1536xf32, #tpu.memory_space<hbm>>
    tpu.enqueue_dma source(%arg12 : memref<16x1536xf32, #tpu.memory_space<vmem>>) target(%dma_start3A_181 : memref<16x1536xf32, #tpu.memory_space<hbm>>) target_semaphore(%arg20 : memref<!tpu.dma_semaphore, #tpu.memory_space<semaphore_mem>>)
    %dma_wait3A_182 = arith.constant 0 : i32
    %dma_wait3A_183 = tpu.memref_slice %arg7[%add3A_116, %dma_wait3A_182] : memref<2048x1536xf32, #tpu.memory_space<hbm>> -> memref<16x1536xf32, #tpu.memory_space<hbm>>
    %dma_wait3A_184 = arith.constant 0 : i32
    %dma_wait3A_185 = tpu.memref_slice %arg7[%add3A_116, %dma_wait3A_184] : memref<2048x1536xf32, #tpu.memory_space<hbm>> -> memref<16x1536xf32, #tpu.memory_space<hbm>>
    tpu.wait_dma2 semaphore(%arg17 : memref<!tpu.dma_semaphore, #tpu.memory_space<semaphore_mem>>) src(%arg9 : memref<16x1536xf32, #tpu.memory_space<vmem>>) dst(%dma_wait3A_185 : memref<16x1536xf32, #tpu.memory_space<hbm>>)
    %dma_wait3A_186 = arith.constant 0 : i32
    %dma_wait3A_187 = tpu.memref_slice %arg7[%add3A_140, %dma_wait3A_186] : memref<2048x1536xf32, #tpu.memory_space<hbm>> -> memref<16x1536xf32, #tpu.memory_space<hbm>>
    %dma_wait3A_188 = arith.constant 0 : i32
    %dma_wait3A_189 = tpu.memref_slice %arg7[%add3A_140, %dma_wait3A_188] : memref<2048x1536xf32, #tpu.memory_space<hbm>> -> memref<16x1536xf32, #tpu.memory_space<hbm>>
    tpu.wait_dma2 semaphore(%arg18 : memref<!tpu.dma_semaphore, #tpu.memory_space<semaphore_mem>>) src(%arg10 : memref<16x1536xf32, #tpu.memory_space<vmem>>) dst(%dma_wait3A_189 : memref<16x1536xf32, #tpu.memory_space<hbm>>)
    %dma_wait3A_190 = arith.constant 0 : i32
    %dma_wait3A_191 = tpu.memref_slice %arg7[%add3A_164, %dma_wait3A_190] : memref<2048x1536xf32, #tpu.memory_space<hbm>> -> memref<16x1536xf32, #tpu.memory_space<hbm>>
    %dma_wait3A_192 = arith.constant 0 : i32
    %dma_wait3A_193 = tpu.memref_slice %arg7[%add3A_164, %dma_wait3A_192] : memref<2048x1536xf32, #tpu.memory_space<hbm>> -> memref<16x1536xf32, #tpu.memory_space<hbm>>
    tpu.wait_dma2 semaphore(%arg19 : memref<!tpu.dma_semaphore, #tpu.memory_space<semaphore_mem>>) src(%arg11 : memref<16x1536xf32, #tpu.memory_space<vmem>>) dst(%dma_wait3A_193 : memref<16x1536xf32, #tpu.memory_space<hbm>>)
    %dma_wait3A_194 = arith.constant 0 : i32
    %dma_wait3A_195 = tpu.memref_slice %arg7[%add3A_177, %dma_wait3A_194] : memref<2048x1536xf32, #tpu.memory_space<hbm>> -> memref<16x1536xf32, #tpu.memory_space<hbm>>
    %dma_wait3A_196 = arith.constant 0 : i32
    %dma_wait3A_197 = tpu.memref_slice %arg7[%add3A_177, %dma_wait3A_196] : memref<2048x1536xf32, #tpu.memory_space<hbm>> -> memref<16x1536xf32, #tpu.memory_space<hbm>>
    tpu.wait_dma2 semaphore(%arg20 : memref<!tpu.dma_semaphore, #tpu.memory_space<semaphore_mem>>) src(%arg12 : memref<16x1536xf32, #tpu.memory_space<vmem>>) dst(%dma_wait3A_197 : memref<16x1536xf32, #tpu.memory_space<hbm>>)
    return
  }
}

#map = affine_map<(d0, d1) -> (0)>
#map1 = affine_map<(d0, d1) -> (0, 0)>
module attributes {stable_mosaic.version = 14 : i64} {
  func.func @_sc_gather_body(%arg0: i32, %arg1: i32, %arg2: memref<4096xi32, #tpu.memory_space<hbm>>, %arg3: memref<4096xi32, #tpu.memory_space<hbm>>, %arg4: memref<100000x1536xf32, #tpu.memory_space<hbm>>, %arg5: memref<100000x1536xf32, #tpu.memory_space<hbm>>, %arg6: memref<2048x1536xf32, #tpu.memory_space<hbm>>, %arg7: memref<2048x1536xf32, #tpu.memory_space<hbm>>, %arg8: memref<2x64xi32, #tpu.memory_space<vmem>>, %arg9: memref<16x1536xf32, #tpu.memory_space<vmem>>, %arg10: memref<16x1536xf32, #tpu.memory_space<vmem>>, %arg11: memref<16x1536xf32, #tpu.memory_space<vmem>>, %arg12: memref<16x1536xf32, #tpu.memory_space<vmem>>, %arg13: memref<!tpu.dma_semaphore, #tpu.memory_space<semaphore_mem>>, %arg14: memref<!tpu.dma_semaphore, #tpu.memory_space<semaphore_mem>>, %arg15: memref<!tpu.dma_semaphore, #tpu.memory_space<semaphore_mem>>, %arg16: memref<!tpu.dma_semaphore, #tpu.memory_space<semaphore_mem>>, %arg17: memref<!tpu.dma_semaphore, #tpu.memory_space<semaphore_mem>>, %arg18: memref<!tpu.dma_semaphore, #tpu.memory_space<semaphore_mem>>, %arg19: memref<!tpu.dma_semaphore, #tpu.memory_space<semaphore_mem>>, %arg20: memref<!tpu.dma_semaphore, #tpu.memory_space<semaphore_mem>>) attributes {dimension_semantics = [#tpu.dimension_semantics<core_parallel>, #tpu.dimension_semantics<subcore_parallel>], iteration_bounds = array<i64: 2, 16>, scalar_prefetch = 0 : i64, scratch_operands = 13 : i64, tpu.core_type = #tpu.core_type<sc_vector_subcore>, window_params = [{transform_indices = #map}, {transform_indices = #map}, {transform_indices = #map1}, {transform_indices = #map1}, {transform_indices = #map1}, {transform_indices = #map1}]} {
    %mul3A = arith.constant 2 : i32
    %mul3A_0 = arith.muli %arg1, %mul3A : i32
    %add3A = arith.addi %mul3A_0, %arg0 : i32
    %mul3A_1 = arith.constant 64 : i32
    %mul3A_2 = arith.muli %add3A, %mul3A_1 : i32
    %add3A_3 = arith.constant 2048 : i32
    %add3A_4 = arith.addi %add3A_3, %mul3A_2 : i32
    %run_scoped3A = arith.constant 0 : i32
    "tpu.region"() ({
      %run_scoped3A_198 = tpu.sem_alloc : memref<!tpu.dma_semaphore, #tpu.memory_space<semaphore_mem>>
      %dma_start3A_199 = arith.constant 0 : i32
      %dma_start3A_200 = tpu.memref_slice %arg8[%run_scoped3A, %dma_start3A_199] : memref<2x64xi32, #tpu.memory_space<vmem>> -> memref<1x64xi32, #tpu.memory_space<vmem>>
      %dma_start3A_201 = tpu.memref_squeeze %dma_start3A_200 : memref<1x64xi32, #tpu.memory_space<vmem>> -> memref<64xi32, #tpu.memory_space<vmem>>
      %dma_start3A_202 = tpu.memref_slice %arg2[%add3A_4] : memref<4096xi32, #tpu.memory_space<hbm>> -> memref<64xi32, #tpu.memory_space<hbm>>
      %dma_start3A_203 = arith.constant 0 : i32
      %dma_start3A_204 = tpu.memref_slice %arg8[%run_scoped3A, %dma_start3A_203] : memref<2x64xi32, #tpu.memory_space<vmem>> -> memref<1x64xi32, #tpu.memory_space<vmem>>
      %dma_start3A_205 = tpu.memref_squeeze %dma_start3A_204 : memref<1x64xi32, #tpu.memory_space<vmem>> -> memref<64xi32, #tpu.memory_space<vmem>>
      %dma_start3A_206 = tpu.memref_slice %arg2[%add3A_4] : memref<4096xi32, #tpu.memory_space<hbm>> -> memref<64xi32, #tpu.memory_space<hbm>>
      tpu.enqueue_dma source(%dma_start3A_206 : memref<64xi32, #tpu.memory_space<hbm>>) target(%dma_start3A_205 : memref<64xi32, #tpu.memory_space<vmem>>) target_semaphore(%run_scoped3A_198 : memref<!tpu.dma_semaphore, #tpu.memory_space<semaphore_mem>>)
      %dma_wait3A_207 = arith.constant 0 : i32
      %dma_wait3A_208 = tpu.memref_slice %arg8[%run_scoped3A, %dma_wait3A_207] : memref<2x64xi32, #tpu.memory_space<vmem>> -> memref<1x64xi32, #tpu.memory_space<vmem>>
      %dma_wait3A_209 = tpu.memref_squeeze %dma_wait3A_208 : memref<1x64xi32, #tpu.memory_space<vmem>> -> memref<64xi32, #tpu.memory_space<vmem>>
      %dma_wait3A_210 = tpu.memref_slice %arg2[%add3A_4] : memref<4096xi32, #tpu.memory_space<hbm>> -> memref<64xi32, #tpu.memory_space<hbm>>
      %dma_wait3A_211 = arith.constant 0 : i32
      %dma_wait3A_212 = tpu.memref_slice %arg8[%run_scoped3A, %dma_wait3A_211] : memref<2x64xi32, #tpu.memory_space<vmem>> -> memref<1x64xi32, #tpu.memory_space<vmem>>
      %dma_wait3A_213 = tpu.memref_squeeze %dma_wait3A_212 : memref<1x64xi32, #tpu.memory_space<vmem>> -> memref<64xi32, #tpu.memory_space<vmem>>
      %dma_wait3A_214 = tpu.memref_slice %arg2[%add3A_4] : memref<4096xi32, #tpu.memory_space<hbm>> -> memref<64xi32, #tpu.memory_space<hbm>>
      tpu.wait_dma2 semaphore(%run_scoped3A_198 : memref<!tpu.dma_semaphore, #tpu.memory_space<semaphore_mem>>) src(%dma_wait3A_214 : memref<64xi32, #tpu.memory_space<hbm>>) dst(%dma_wait3A_213 : memref<64xi32, #tpu.memory_space<vmem>>)
      tpu.yield
    }) : () -> ()
    %add3A_5 = arith.constant 2048 : i32
    %add3A_6 = arith.addi %add3A_5, %mul3A_2 : i32
    %run_scoped3A_7 = arith.constant 1 : i32
    "tpu.region"() ({
      %run_scoped3A_198 = tpu.sem_alloc : memref<!tpu.dma_semaphore, #tpu.memory_space<semaphore_mem>>
      %dma_start3A_199 = arith.constant 0 : i32
      %dma_start3A_200 = tpu.memref_slice %arg8[%run_scoped3A_7, %dma_start3A_199] : memref<2x64xi32, #tpu.memory_space<vmem>> -> memref<1x64xi32, #tpu.memory_space<vmem>>
      %dma_start3A_201 = tpu.memref_squeeze %dma_start3A_200 : memref<1x64xi32, #tpu.memory_space<vmem>> -> memref<64xi32, #tpu.memory_space<vmem>>
      %dma_start3A_202 = tpu.memref_slice %arg3[%add3A_6] : memref<4096xi32, #tpu.memory_space<hbm>> -> memref<64xi32, #tpu.memory_space<hbm>>
      %dma_start3A_203 = arith.constant 0 : i32
      %dma_start3A_204 = tpu.memref_slice %arg8[%run_scoped3A_7, %dma_start3A_203] : memref<2x64xi32, #tpu.memory_space<vmem>> -> memref<1x64xi32, #tpu.memory_space<vmem>>
      %dma_start3A_205 = tpu.memref_squeeze %dma_start3A_204 : memref<1x64xi32, #tpu.memory_space<vmem>> -> memref<64xi32, #tpu.memory_space<vmem>>
      %dma_start3A_206 = tpu.memref_slice %arg3[%add3A_6] : memref<4096xi32, #tpu.memory_space<hbm>> -> memref<64xi32, #tpu.memory_space<hbm>>
      tpu.enqueue_dma source(%dma_start3A_206 : memref<64xi32, #tpu.memory_space<hbm>>) target(%dma_start3A_205 : memref<64xi32, #tpu.memory_space<vmem>>) target_semaphore(%run_scoped3A_198 : memref<!tpu.dma_semaphore, #tpu.memory_space<semaphore_mem>>)
      %dma_wait3A_207 = arith.constant 0 : i32
      %dma_wait3A_208 = tpu.memref_slice %arg8[%run_scoped3A_7, %dma_wait3A_207] : memref<2x64xi32, #tpu.memory_space<vmem>> -> memref<1x64xi32, #tpu.memory_space<vmem>>
      %dma_wait3A_209 = tpu.memref_squeeze %dma_wait3A_208 : memref<1x64xi32, #tpu.memory_space<vmem>> -> memref<64xi32, #tpu.memory_space<vmem>>
      %dma_wait3A_210 = tpu.memref_slice %arg3[%add3A_6] : memref<4096xi32, #tpu.memory_space<hbm>> -> memref<64xi32, #tpu.memory_space<hbm>>
      %dma_wait3A_211 = arith.constant 0 : i32
      %dma_wait3A_212 = tpu.memref_slice %arg8[%run_scoped3A_7, %dma_wait3A_211] : memref<2x64xi32, #tpu.memory_space<vmem>> -> memref<1x64xi32, #tpu.memory_space<vmem>>
      %dma_wait3A_213 = tpu.memref_squeeze %dma_wait3A_212 : memref<1x64xi32, #tpu.memory_space<vmem>> -> memref<64xi32, #tpu.memory_space<vmem>>
      %dma_wait3A_214 = tpu.memref_slice %arg3[%add3A_6] : memref<4096xi32, #tpu.memory_space<hbm>> -> memref<64xi32, #tpu.memory_space<hbm>>
      tpu.wait_dma2 semaphore(%run_scoped3A_198 : memref<!tpu.dma_semaphore, #tpu.memory_space<semaphore_mem>>) src(%dma_wait3A_214 : memref<64xi32, #tpu.memory_space<hbm>>) dst(%dma_wait3A_213 : memref<64xi32, #tpu.memory_space<vmem>>)
      tpu.yield
    }) : () -> ()
    %dma_start3A = arith.constant 0 : i32
    %dma_start3A_8 = arith.constant 0 : i32
    %dma_start3A_9 = tpu.memref_slice %arg8[%dma_start3A, %dma_start3A_8] : memref<2x64xi32, #tpu.memory_space<vmem>> -> memref<1x16xi32, #tpu.memory_space<vmem>>
    %dma_start3A_10 = tpu.memref_squeeze %dma_start3A_9 : memref<1x16xi32, #tpu.memory_space<vmem>> -> memref<16xi32, #tpu.memory_space<vmem>>
    %dma_start3A_11 = arith.constant 0 : i32
    %dma_start3A_12 = arith.constant 0 : i32
    %dma_start3A_13 = tpu.memref_slice %arg4[%dma_start3A_11, %dma_start3A_12] : memref<100000x1536xf32, #tpu.memory_space<hbm>> -> memref<100000x1536xf32, #tpu.memory_space<hbm>>
    tpu.enqueue_indirect_dma source(%dma_start3A_13 : memref<100000x1536xf32, #tpu.memory_space<hbm>>) target(%arg9 : memref<16x1536xf32, #tpu.memory_space<vmem>>) offsets(%dma_start3A_10 : memref<16xi32, #tpu.memory_space<vmem>>) semaphore(%arg13 : memref<!tpu.dma_semaphore, #tpu.memory_space<semaphore_mem>>)
    %dma_start3A_14 = arith.constant 0 : i32
    %dma_start3A_15 = arith.constant 16 : i32
    %dma_start3A_16 = tpu.memref_slice %arg8[%dma_start3A_14, %dma_start3A_15] : memref<2x64xi32, #tpu.memory_space<vmem>> -> memref<1x16xi32, #tpu.memory_space<vmem>>
    %dma_start3A_17 = tpu.memref_squeeze %dma_start3A_16 : memref<1x16xi32, #tpu.memory_space<vmem>> -> memref<16xi32, #tpu.memory_space<vmem>>
    %dma_start3A_18 = arith.constant 0 : i32
    %dma_start3A_19 = arith.constant 0 : i32
    %dma_start3A_20 = tpu.memref_slice %arg4[%dma_start3A_18, %dma_start3A_19] : memref<100000x1536xf32, #tpu.memory_space<hbm>> -> memref<100000x1536xf32, #tpu.memory_space<hbm>>
    tpu.enqueue_indirect_dma source(%dma_start3A_20 : memref<100000x1536xf32, #tpu.memory_space<hbm>>) target(%arg10 : memref<16x1536xf32, #tpu.memory_space<vmem>>) offsets(%dma_start3A_17 : memref<16xi32, #tpu.memory_space<vmem>>) semaphore(%arg14 : memref<!tpu.dma_semaphore, #tpu.memory_space<semaphore_mem>>)
    %dma_wait3A = arith.constant 0 : i32
    %dma_wait3A_21 = arith.constant 0 : i32
    %dma_wait3A_22 = tpu.memref_slice %arg8[%dma_wait3A, %dma_wait3A_21] : memref<2x64xi32, #tpu.memory_space<vmem>> -> memref<1x16xi32, #tpu.memory_space<vmem>>
    %dma_wait3A_23 = tpu.memref_squeeze %dma_wait3A_22 : memref<1x16xi32, #tpu.memory_space<vmem>> -> memref<16xi32, #tpu.memory_space<vmem>>
    %dma_wait3A_24 = arith.constant 0 : i32
    %dma_wait3A_25 = arith.constant 0 : i32
    %dma_wait3A_26 = tpu.memref_slice %arg4[%dma_wait3A_24, %dma_wait3A_25] : memref<100000x1536xf32, #tpu.memory_space<hbm>> -> memref<100000x1536xf32, #tpu.memory_space<hbm>>
    tpu.wait_indirect_dma semaphore(%arg13 : memref<!tpu.dma_semaphore, #tpu.memory_space<semaphore_mem>>) src(%dma_wait3A_26 : memref<100000x1536xf32, #tpu.memory_space<hbm>>) dst(%arg9 : memref<16x1536xf32, #tpu.memory_space<vmem>>)
    %add3A_27 = arith.constant 0 : i32
    %add3A_28 = arith.addi %mul3A_2, %add3A_27 : i32
    %dma_start3A_29 = arith.constant 0 : i32
    %dma_start3A_30 = tpu.memref_slice %arg6[%add3A_28, %dma_start3A_29] : memref<2048x1536xf32, #tpu.memory_space<hbm>> -> memref<16x1536xf32, #tpu.memory_space<hbm>>
    %dma_start3A_31 = arith.constant 0 : i32
    %dma_start3A_32 = tpu.memref_slice %arg6[%add3A_28, %dma_start3A_31] : memref<2048x1536xf32, #tpu.memory_space<hbm>> -> memref<16x1536xf32, #tpu.memory_space<hbm>>
    tpu.enqueue_dma source(%arg9 : memref<16x1536xf32, #tpu.memory_space<vmem>>) target(%dma_start3A_32 : memref<16x1536xf32, #tpu.memory_space<hbm>>) target_semaphore(%arg17 : memref<!tpu.dma_semaphore, #tpu.memory_space<semaphore_mem>>)
    %dma_start3A_33 = arith.constant 0 : i32
    %dma_start3A_34 = arith.constant 32 : i32
    %dma_start3A_35 = tpu.memref_slice %arg8[%dma_start3A_33, %dma_start3A_34] : memref<2x64xi32, #tpu.memory_space<vmem>> -> memref<1x16xi32, #tpu.memory_space<vmem>>
    %dma_start3A_36 = tpu.memref_squeeze %dma_start3A_35 : memref<1x16xi32, #tpu.memory_space<vmem>> -> memref<16xi32, #tpu.memory_space<vmem>>
    %dma_start3A_37 = arith.constant 0 : i32
    %dma_start3A_38 = arith.constant 0 : i32
    %dma_start3A_39 = tpu.memref_slice %arg4[%dma_start3A_37, %dma_start3A_38] : memref<100000x1536xf32, #tpu.memory_space<hbm>> -> memref<100000x1536xf32, #tpu.memory_space<hbm>>
    tpu.enqueue_indirect_dma source(%dma_start3A_39 : memref<100000x1536xf32, #tpu.memory_space<hbm>>) target(%arg11 : memref<16x1536xf32, #tpu.memory_space<vmem>>) offsets(%dma_start3A_36 : memref<16xi32, #tpu.memory_space<vmem>>) semaphore(%arg15 : memref<!tpu.dma_semaphore, #tpu.memory_space<semaphore_mem>>)
    %dma_wait3A_40 = arith.constant 0 : i32
    %dma_wait3A_41 = arith.constant 16 : i32
    %dma_wait3A_42 = tpu.memref_slice %arg8[%dma_wait3A_40, %dma_wait3A_41] : memref<2x64xi32, #tpu.memory_space<vmem>> -> memref<1x16xi32, #tpu.memory_space<vmem>>
    %dma_wait3A_43 = tpu.memref_squeeze %dma_wait3A_42 : memref<1x16xi32, #tpu.memory_space<vmem>> -> memref<16xi32, #tpu.memory_space<vmem>>
    %dma_wait3A_44 = arith.constant 0 : i32
    %dma_wait3A_45 = arith.constant 0 : i32
    %dma_wait3A_46 = tpu.memref_slice %arg4[%dma_wait3A_44, %dma_wait3A_45] : memref<100000x1536xf32, #tpu.memory_space<hbm>> -> memref<100000x1536xf32, #tpu.memory_space<hbm>>
    tpu.wait_indirect_dma semaphore(%arg14 : memref<!tpu.dma_semaphore, #tpu.memory_space<semaphore_mem>>) src(%dma_wait3A_46 : memref<100000x1536xf32, #tpu.memory_space<hbm>>) dst(%arg10 : memref<16x1536xf32, #tpu.memory_space<vmem>>)
    %add3A_47 = arith.constant 16 : i32
    %add3A_48 = arith.addi %mul3A_2, %add3A_47 : i32
    %dma_start3A_49 = arith.constant 0 : i32
    %dma_start3A_50 = tpu.memref_slice %arg6[%add3A_48, %dma_start3A_49] : memref<2048x1536xf32, #tpu.memory_space<hbm>> -> memref<16x1536xf32, #tpu.memory_space<hbm>>
    %dma_start3A_51 = arith.constant 0 : i32
    %dma_start3A_52 = tpu.memref_slice %arg6[%add3A_48, %dma_start3A_51] : memref<2048x1536xf32, #tpu.memory_space<hbm>> -> memref<16x1536xf32, #tpu.memory_space<hbm>>
    tpu.enqueue_dma source(%arg10 : memref<16x1536xf32, #tpu.memory_space<vmem>>) target(%dma_start3A_52 : memref<16x1536xf32, #tpu.memory_space<hbm>>) target_semaphore(%arg18 : memref<!tpu.dma_semaphore, #tpu.memory_space<semaphore_mem>>)
    %dma_start3A_53 = arith.constant 0 : i32
    %dma_start3A_54 = arith.constant 48 : i32
    %dma_start3A_55 = tpu.memref_slice %arg8[%dma_start3A_53, %dma_start3A_54] : memref<2x64xi32, #tpu.memory_space<vmem>> -> memref<1x16xi32, #tpu.memory_space<vmem>>
    %dma_start3A_56 = tpu.memref_squeeze %dma_start3A_55 : memref<1x16xi32, #tpu.memory_space<vmem>> -> memref<16xi32, #tpu.memory_space<vmem>>
    %dma_start3A_57 = arith.constant 0 : i32
    %dma_start3A_58 = arith.constant 0 : i32
    %dma_start3A_59 = tpu.memref_slice %arg4[%dma_start3A_57, %dma_start3A_58] : memref<100000x1536xf32, #tpu.memory_space<hbm>> -> memref<100000x1536xf32, #tpu.memory_space<hbm>>
    tpu.enqueue_indirect_dma source(%dma_start3A_59 : memref<100000x1536xf32, #tpu.memory_space<hbm>>) target(%arg12 : memref<16x1536xf32, #tpu.memory_space<vmem>>) offsets(%dma_start3A_56 : memref<16xi32, #tpu.memory_space<vmem>>) semaphore(%arg16 : memref<!tpu.dma_semaphore, #tpu.memory_space<semaphore_mem>>)
    %dma_wait3A_60 = arith.constant 0 : i32
    %dma_wait3A_61 = arith.constant 32 : i32
    %dma_wait3A_62 = tpu.memref_slice %arg8[%dma_wait3A_60, %dma_wait3A_61] : memref<2x64xi32, #tpu.memory_space<vmem>> -> memref<1x16xi32, #tpu.memory_space<vmem>>
    %dma_wait3A_63 = tpu.memref_squeeze %dma_wait3A_62 : memref<1x16xi32, #tpu.memory_space<vmem>> -> memref<16xi32, #tpu.memory_space<vmem>>
    %dma_wait3A_64 = arith.constant 0 : i32
    %dma_wait3A_65 = arith.constant 0 : i32
    %dma_wait3A_66 = tpu.memref_slice %arg4[%dma_wait3A_64, %dma_wait3A_65] : memref<100000x1536xf32, #tpu.memory_space<hbm>> -> memref<100000x1536xf32, #tpu.memory_space<hbm>>
    tpu.wait_indirect_dma semaphore(%arg15 : memref<!tpu.dma_semaphore, #tpu.memory_space<semaphore_mem>>) src(%dma_wait3A_66 : memref<100000x1536xf32, #tpu.memory_space<hbm>>) dst(%arg11 : memref<16x1536xf32, #tpu.memory_space<vmem>>)
    %add3A_67 = arith.constant 32 : i32
    %add3A_68 = arith.addi %mul3A_2, %add3A_67 : i32
    %dma_start3A_69 = arith.constant 0 : i32
    %dma_start3A_70 = tpu.memref_slice %arg6[%add3A_68, %dma_start3A_69] : memref<2048x1536xf32, #tpu.memory_space<hbm>> -> memref<16x1536xf32, #tpu.memory_space<hbm>>
    %dma_start3A_71 = arith.constant 0 : i32
    %dma_start3A_72 = tpu.memref_slice %arg6[%add3A_68, %dma_start3A_71] : memref<2048x1536xf32, #tpu.memory_space<hbm>> -> memref<16x1536xf32, #tpu.memory_space<hbm>>
    tpu.enqueue_dma source(%arg11 : memref<16x1536xf32, #tpu.memory_space<vmem>>) target(%dma_start3A_72 : memref<16x1536xf32, #tpu.memory_space<hbm>>) target_semaphore(%arg19 : memref<!tpu.dma_semaphore, #tpu.memory_space<semaphore_mem>>)
    %dma_wait3A_73 = arith.constant 0 : i32
    %dma_wait3A_74 = tpu.memref_slice %arg6[%add3A_28, %dma_wait3A_73] : memref<2048x1536xf32, #tpu.memory_space<hbm>> -> memref<16x1536xf32, #tpu.memory_space<hbm>>
    %dma_wait3A_75 = arith.constant 0 : i32
    %dma_wait3A_76 = tpu.memref_slice %arg6[%add3A_28, %dma_wait3A_75] : memref<2048x1536xf32, #tpu.memory_space<hbm>> -> memref<16x1536xf32, #tpu.memory_space<hbm>>
    tpu.wait_dma2 semaphore(%arg17 : memref<!tpu.dma_semaphore, #tpu.memory_space<semaphore_mem>>) src(%arg9 : memref<16x1536xf32, #tpu.memory_space<vmem>>) dst(%dma_wait3A_76 : memref<16x1536xf32, #tpu.memory_space<hbm>>)
    %dma_start3A_77 = arith.constant 1 : i32
    %dma_start3A_78 = arith.constant 0 : i32
    %dma_start3A_79 = tpu.memref_slice %arg8[%dma_start3A_77, %dma_start3A_78] : memref<2x64xi32, #tpu.memory_space<vmem>> -> memref<1x16xi32, #tpu.memory_space<vmem>>
    %dma_start3A_80 = tpu.memref_squeeze %dma_start3A_79 : memref<1x16xi32, #tpu.memory_space<vmem>> -> memref<16xi32, #tpu.memory_space<vmem>>
    %dma_start3A_81 = arith.constant 0 : i32
    %dma_start3A_82 = arith.constant 0 : i32
    %dma_start3A_83 = tpu.memref_slice %arg5[%dma_start3A_81, %dma_start3A_82] : memref<100000x1536xf32, #tpu.memory_space<hbm>> -> memref<100000x1536xf32, #tpu.memory_space<hbm>>
    tpu.enqueue_indirect_dma source(%dma_start3A_83 : memref<100000x1536xf32, #tpu.memory_space<hbm>>) target(%arg9 : memref<16x1536xf32, #tpu.memory_space<vmem>>) offsets(%dma_start3A_80 : memref<16xi32, #tpu.memory_space<vmem>>) semaphore(%arg13 : memref<!tpu.dma_semaphore, #tpu.memory_space<semaphore_mem>>)
    %dma_wait3A_84 = arith.constant 0 : i32
    %dma_wait3A_85 = arith.constant 48 : i32
    %dma_wait3A_86 = tpu.memref_slice %arg8[%dma_wait3A_84, %dma_wait3A_85] : memref<2x64xi32, #tpu.memory_space<vmem>> -> memref<1x16xi32, #tpu.memory_space<vmem>>
    %dma_wait3A_87 = tpu.memref_squeeze %dma_wait3A_86 : memref<1x16xi32, #tpu.memory_space<vmem>> -> memref<16xi32, #tpu.memory_space<vmem>>
    %dma_wait3A_88 = arith.constant 0 : i32
    %dma_wait3A_89 = arith.constant 0 : i32
    %dma_wait3A_90 = tpu.memref_slice %arg4[%dma_wait3A_88, %dma_wait3A_89] : memref<100000x1536xf32, #tpu.memory_space<hbm>> -> memref<100000x1536xf32, #tpu.memory_space<hbm>>
    tpu.wait_indirect_dma semaphore(%arg16 : memref<!tpu.dma_semaphore, #tpu.memory_space<semaphore_mem>>) src(%dma_wait3A_90 : memref<100000x1536xf32, #tpu.memory_space<hbm>>) dst(%arg12 : memref<16x1536xf32, #tpu.memory_space<vmem>>)
    %add3A_91 = arith.constant 48 : i32
    %add3A_92 = arith.addi %mul3A_2, %add3A_91 : i32
    %dma_start3A_93 = arith.constant 0 : i32
    %dma_start3A_94 = tpu.memref_slice %arg6[%add3A_92, %dma_start3A_93] : memref<2048x1536xf32, #tpu.memory_space<hbm>> -> memref<16x1536xf32, #tpu.memory_space<hbm>>
    %dma_start3A_95 = arith.constant 0 : i32
    %dma_start3A_96 = tpu.memref_slice %arg6[%add3A_92, %dma_start3A_95] : memref<2048x1536xf32, #tpu.memory_space<hbm>> -> memref<16x1536xf32, #tpu.memory_space<hbm>>
    tpu.enqueue_dma source(%arg12 : memref<16x1536xf32, #tpu.memory_space<vmem>>) target(%dma_start3A_96 : memref<16x1536xf32, #tpu.memory_space<hbm>>) target_semaphore(%arg20 : memref<!tpu.dma_semaphore, #tpu.memory_space<semaphore_mem>>)
    %dma_wait3A_97 = arith.constant 0 : i32
    %dma_wait3A_98 = tpu.memref_slice %arg6[%add3A_48, %dma_wait3A_97] : memref<2048x1536xf32, #tpu.memory_space<hbm>> -> memref<16x1536xf32, #tpu.memory_space<hbm>>
    %dma_wait3A_99 = arith.constant 0 : i32
    %dma_wait3A_100 = tpu.memref_slice %arg6[%add3A_48, %dma_wait3A_99] : memref<2048x1536xf32, #tpu.memory_space<hbm>> -> memref<16x1536xf32, #tpu.memory_space<hbm>>
    tpu.wait_dma2 semaphore(%arg18 : memref<!tpu.dma_semaphore, #tpu.memory_space<semaphore_mem>>) src(%arg10 : memref<16x1536xf32, #tpu.memory_space<vmem>>) dst(%dma_wait3A_100 : memref<16x1536xf32, #tpu.memory_space<hbm>>)
    %dma_start3A_101 = arith.constant 1 : i32
    %dma_start3A_102 = arith.constant 16 : i32
    %dma_start3A_103 = tpu.memref_slice %arg8[%dma_start3A_101, %dma_start3A_102] : memref<2x64xi32, #tpu.memory_space<vmem>> -> memref<1x16xi32, #tpu.memory_space<vmem>>
    %dma_start3A_104 = tpu.memref_squeeze %dma_start3A_103 : memref<1x16xi32, #tpu.memory_space<vmem>> -> memref<16xi32, #tpu.memory_space<vmem>>
    %dma_start3A_105 = arith.constant 0 : i32
    %dma_start3A_106 = arith.constant 0 : i32
    %dma_start3A_107 = tpu.memref_slice %arg5[%dma_start3A_105, %dma_start3A_106] : memref<100000x1536xf32, #tpu.memory_space<hbm>> -> memref<100000x1536xf32, #tpu.memory_space<hbm>>
    tpu.enqueue_indirect_dma source(%dma_start3A_107 : memref<100000x1536xf32, #tpu.memory_space<hbm>>) target(%arg10 : memref<16x1536xf32, #tpu.memory_space<vmem>>) offsets(%dma_start3A_104 : memref<16xi32, #tpu.memory_space<vmem>>) semaphore(%arg14 : memref<!tpu.dma_semaphore, #tpu.memory_space<semaphore_mem>>)
    %dma_wait3A_108 = arith.constant 1 : i32
    %dma_wait3A_109 = arith.constant 0 : i32
    %dma_wait3A_110 = tpu.memref_slice %arg8[%dma_wait3A_108, %dma_wait3A_109] : memref<2x64xi32, #tpu.memory_space<vmem>> -> memref<1x16xi32, #tpu.memory_space<vmem>>
    %dma_wait3A_111 = tpu.memref_squeeze %dma_wait3A_110 : memref<1x16xi32, #tpu.memory_space<vmem>> -> memref<16xi32, #tpu.memory_space<vmem>>
    %dma_wait3A_112 = arith.constant 0 : i32
    %dma_wait3A_113 = arith.constant 0 : i32
    %dma_wait3A_114 = tpu.memref_slice %arg5[%dma_wait3A_112, %dma_wait3A_113] : memref<100000x1536xf32, #tpu.memory_space<hbm>> -> memref<100000x1536xf32, #tpu.memory_space<hbm>>
    tpu.wait_indirect_dma semaphore(%arg13 : memref<!tpu.dma_semaphore, #tpu.memory_space<semaphore_mem>>) src(%dma_wait3A_114 : memref<100000x1536xf32, #tpu.memory_space<hbm>>) dst(%arg9 : memref<16x1536xf32, #tpu.memory_space<vmem>>)
    %add3A_115 = arith.constant 0 : i32
    %add3A_116 = arith.addi %mul3A_2, %add3A_115 : i32
    %dma_start3A_117 = arith.constant 0 : i32
    %dma_start3A_118 = tpu.memref_slice %arg7[%add3A_116, %dma_start3A_117] : memref<2048x1536xf32, #tpu.memory_space<hbm>> -> memref<16x1536xf32, #tpu.memory_space<hbm>>
    %dma_start3A_119 = arith.constant 0 : i32
    %dma_start3A_120 = tpu.memref_slice %arg7[%add3A_116, %dma_start3A_119] : memref<2048x1536xf32, #tpu.memory_space<hbm>> -> memref<16x1536xf32, #tpu.memory_space<hbm>>
    tpu.enqueue_dma source(%arg9 : memref<16x1536xf32, #tpu.memory_space<vmem>>) target(%dma_start3A_120 : memref<16x1536xf32, #tpu.memory_space<hbm>>) target_semaphore(%arg17 : memref<!tpu.dma_semaphore, #tpu.memory_space<semaphore_mem>>)
    %dma_wait3A_121 = arith.constant 0 : i32
    %dma_wait3A_122 = tpu.memref_slice %arg6[%add3A_68, %dma_wait3A_121] : memref<2048x1536xf32, #tpu.memory_space<hbm>> -> memref<16x1536xf32, #tpu.memory_space<hbm>>
    %dma_wait3A_123 = arith.constant 0 : i32
    %dma_wait3A_124 = tpu.memref_slice %arg6[%add3A_68, %dma_wait3A_123] : memref<2048x1536xf32, #tpu.memory_space<hbm>> -> memref<16x1536xf32, #tpu.memory_space<hbm>>
    tpu.wait_dma2 semaphore(%arg19 : memref<!tpu.dma_semaphore, #tpu.memory_space<semaphore_mem>>) src(%arg11 : memref<16x1536xf32, #tpu.memory_space<vmem>>) dst(%dma_wait3A_124 : memref<16x1536xf32, #tpu.memory_space<hbm>>)
    %dma_start3A_125 = arith.constant 1 : i32
    %dma_start3A_126 = arith.constant 32 : i32
    %dma_start3A_127 = tpu.memref_slice %arg8[%dma_start3A_125, %dma_start3A_126] : memref<2x64xi32, #tpu.memory_space<vmem>> -> memref<1x16xi32, #tpu.memory_space<vmem>>
    %dma_start3A_128 = tpu.memref_squeeze %dma_start3A_127 : memref<1x16xi32, #tpu.memory_space<vmem>> -> memref<16xi32, #tpu.memory_space<vmem>>
    %dma_start3A_129 = arith.constant 0 : i32
    %dma_start3A_130 = arith.constant 0 : i32
    %dma_start3A_131 = tpu.memref_slice %arg5[%dma_start3A_129, %dma_start3A_130] : memref<100000x1536xf32, #tpu.memory_space<hbm>> -> memref<100000x1536xf32, #tpu.memory_space<hbm>>
    tpu.enqueue_indirect_dma source(%dma_start3A_131 : memref<100000x1536xf32, #tpu.memory_space<hbm>>) target(%arg11 : memref<16x1536xf32, #tpu.memory_space<vmem>>) offsets(%dma_start3A_128 : memref<16xi32, #tpu.memory_space<vmem>>) semaphore(%arg15 : memref<!tpu.dma_semaphore, #tpu.memory_space<semaphore_mem>>)
    %dma_wait3A_132 = arith.constant 1 : i32
    %dma_wait3A_133 = arith.constant 16 : i32
    %dma_wait3A_134 = tpu.memref_slice %arg8[%dma_wait3A_132, %dma_wait3A_133] : memref<2x64xi32, #tpu.memory_space<vmem>> -> memref<1x16xi32, #tpu.memory_space<vmem>>
    %dma_wait3A_135 = tpu.memref_squeeze %dma_wait3A_134 : memref<1x16xi32, #tpu.memory_space<vmem>> -> memref<16xi32, #tpu.memory_space<vmem>>
    %dma_wait3A_136 = arith.constant 0 : i32
    %dma_wait3A_137 = arith.constant 0 : i32
    %dma_wait3A_138 = tpu.memref_slice %arg5[%dma_wait3A_136, %dma_wait3A_137] : memref<100000x1536xf32, #tpu.memory_space<hbm>> -> memref<100000x1536xf32, #tpu.memory_space<hbm>>
    tpu.wait_indirect_dma semaphore(%arg14 : memref<!tpu.dma_semaphore, #tpu.memory_space<semaphore_mem>>) src(%dma_wait3A_138 : memref<100000x1536xf32, #tpu.memory_space<hbm>>) dst(%arg10 : memref<16x1536xf32, #tpu.memory_space<vmem>>)
    %add3A_139 = arith.constant 16 : i32
    %add3A_140 = arith.addi %mul3A_2, %add3A_139 : i32
    %dma_start3A_141 = arith.constant 0 : i32
    %dma_start3A_142 = tpu.memref_slice %arg7[%add3A_140, %dma_start3A_141] : memref<2048x1536xf32, #tpu.memory_space<hbm>> -> memref<16x1536xf32, #tpu.memory_space<hbm>>
    %dma_start3A_143 = arith.constant 0 : i32
    %dma_start3A_144 = tpu.memref_slice %arg7[%add3A_140, %dma_start3A_143] : memref<2048x1536xf32, #tpu.memory_space<hbm>> -> memref<16x1536xf32, #tpu.memory_space<hbm>>
    tpu.enqueue_dma source(%arg10 : memref<16x1536xf32, #tpu.memory_space<vmem>>) target(%dma_start3A_144 : memref<16x1536xf32, #tpu.memory_space<hbm>>) target_semaphore(%arg18 : memref<!tpu.dma_semaphore, #tpu.memory_space<semaphore_mem>>)
    %dma_wait3A_145 = arith.constant 0 : i32
    %dma_wait3A_146 = tpu.memref_slice %arg6[%add3A_92, %dma_wait3A_145] : memref<2048x1536xf32, #tpu.memory_space<hbm>> -> memref<16x1536xf32, #tpu.memory_space<hbm>>
    %dma_wait3A_147 = arith.constant 0 : i32
    %dma_wait3A_148 = tpu.memref_slice %arg6[%add3A_92, %dma_wait3A_147] : memref<2048x1536xf32, #tpu.memory_space<hbm>> -> memref<16x1536xf32, #tpu.memory_space<hbm>>
    tpu.wait_dma2 semaphore(%arg20 : memref<!tpu.dma_semaphore, #tpu.memory_space<semaphore_mem>>) src(%arg12 : memref<16x1536xf32, #tpu.memory_space<vmem>>) dst(%dma_wait3A_148 : memref<16x1536xf32, #tpu.memory_space<hbm>>)
    %dma_start3A_149 = arith.constant 1 : i32
    %dma_start3A_150 = arith.constant 48 : i32
    %dma_start3A_151 = tpu.memref_slice %arg8[%dma_start3A_149, %dma_start3A_150] : memref<2x64xi32, #tpu.memory_space<vmem>> -> memref<1x16xi32, #tpu.memory_space<vmem>>
    %dma_start3A_152 = tpu.memref_squeeze %dma_start3A_151 : memref<1x16xi32, #tpu.memory_space<vmem>> -> memref<16xi32, #tpu.memory_space<vmem>>
    %dma_start3A_153 = arith.constant 0 : i32
    %dma_start3A_154 = arith.constant 0 : i32
    %dma_start3A_155 = tpu.memref_slice %arg5[%dma_start3A_153, %dma_start3A_154] : memref<100000x1536xf32, #tpu.memory_space<hbm>> -> memref<100000x1536xf32, #tpu.memory_space<hbm>>
    tpu.enqueue_indirect_dma source(%dma_start3A_155 : memref<100000x1536xf32, #tpu.memory_space<hbm>>) target(%arg12 : memref<16x1536xf32, #tpu.memory_space<vmem>>) offsets(%dma_start3A_152 : memref<16xi32, #tpu.memory_space<vmem>>) semaphore(%arg16 : memref<!tpu.dma_semaphore, #tpu.memory_space<semaphore_mem>>)
    %dma_wait3A_156 = arith.constant 1 : i32
    %dma_wait3A_157 = arith.constant 32 : i32
    %dma_wait3A_158 = tpu.memref_slice %arg8[%dma_wait3A_156, %dma_wait3A_157] : memref<2x64xi32, #tpu.memory_space<vmem>> -> memref<1x16xi32, #tpu.memory_space<vmem>>
    %dma_wait3A_159 = tpu.memref_squeeze %dma_wait3A_158 : memref<1x16xi32, #tpu.memory_space<vmem>> -> memref<16xi32, #tpu.memory_space<vmem>>
    %dma_wait3A_160 = arith.constant 0 : i32
    %dma_wait3A_161 = arith.constant 0 : i32
    %dma_wait3A_162 = tpu.memref_slice %arg5[%dma_wait3A_160, %dma_wait3A_161] : memref<100000x1536xf32, #tpu.memory_space<hbm>> -> memref<100000x1536xf32, #tpu.memory_space<hbm>>
    tpu.wait_indirect_dma semaphore(%arg15 : memref<!tpu.dma_semaphore, #tpu.memory_space<semaphore_mem>>) src(%dma_wait3A_162 : memref<100000x1536xf32, #tpu.memory_space<hbm>>) dst(%arg11 : memref<16x1536xf32, #tpu.memory_space<vmem>>)
    %add3A_163 = arith.constant 32 : i32
    %add3A_164 = arith.addi %mul3A_2, %add3A_163 : i32
    %dma_start3A_165 = arith.constant 0 : i32
    %dma_start3A_166 = tpu.memref_slice %arg7[%add3A_164, %dma_start3A_165] : memref<2048x1536xf32, #tpu.memory_space<hbm>> -> memref<16x1536xf32, #tpu.memory_space<hbm>>
    %dma_start3A_167 = arith.constant 0 : i32
    %dma_start3A_168 = tpu.memref_slice %arg7[%add3A_164, %dma_start3A_167] : memref<2048x1536xf32, #tpu.memory_space<hbm>> -> memref<16x1536xf32, #tpu.memory_space<hbm>>
    tpu.enqueue_dma source(%arg11 : memref<16x1536xf32, #tpu.memory_space<vmem>>) target(%dma_start3A_168 : memref<16x1536xf32, #tpu.memory_space<hbm>>) target_semaphore(%arg19 : memref<!tpu.dma_semaphore, #tpu.memory_space<semaphore_mem>>)
    %dma_wait3A_169 = arith.constant 1 : i32
    %dma_wait3A_170 = arith.constant 48 : i32
    %dma_wait3A_171 = tpu.memref_slice %arg8[%dma_wait3A_169, %dma_wait3A_170] : memref<2x64xi32, #tpu.memory_space<vmem>> -> memref<1x16xi32, #tpu.memory_space<vmem>>
    %dma_wait3A_172 = tpu.memref_squeeze %dma_wait3A_171 : memref<1x16xi32, #tpu.memory_space<vmem>> -> memref<16xi32, #tpu.memory_space<vmem>>
    %dma_wait3A_173 = arith.constant 0 : i32
    %dma_wait3A_174 = arith.constant 0 : i32
    %dma_wait3A_175 = tpu.memref_slice %arg5[%dma_wait3A_173, %dma_wait3A_174] : memref<100000x1536xf32, #tpu.memory_space<hbm>> -> memref<100000x1536xf32, #tpu.memory_space<hbm>>
    tpu.wait_indirect_dma semaphore(%arg16 : memref<!tpu.dma_semaphore, #tpu.memory_space<semaphore_mem>>) src(%dma_wait3A_175 : memref<100000x1536xf32, #tpu.memory_space<hbm>>) dst(%arg12 : memref<16x1536xf32, #tpu.memory_space<vmem>>)
    %add3A_176 = arith.constant 48 : i32
    %add3A_177 = arith.addi %mul3A_2, %add3A_176 : i32
    %dma_start3A_178 = arith.constant 0 : i32
    %dma_start3A_179 = tpu.memref_slice %arg7[%add3A_177, %dma_start3A_178] : memref<2048x1536xf32, #tpu.memory_space<hbm>> -> memref<16x1536xf32, #tpu.memory_space<hbm>>
    %dma_start3A_180 = arith.constant 0 : i32
    %dma_start3A_181 = tpu.memref_slice %arg7[%add3A_177, %dma_start3A_180] : memref<2048x1536xf32, #tpu.memory_space<hbm>> -> memref<16x1536xf32, #tpu.memory_space<hbm>>
    tpu.enqueue_dma source(%arg12 : memref<16x1536xf32, #tpu.memory_space<vmem>>) target(%dma_start3A_181 : memref<16x1536xf32, #tpu.memory_space<hbm>>) target_semaphore(%arg20 : memref<!tpu.dma_semaphore, #tpu.memory_space<semaphore_mem>>)
    %dma_wait3A_182 = arith.constant 0 : i32
    %dma_wait3A_183 = tpu.memref_slice %arg7[%add3A_116, %dma_wait3A_182] : memref<2048x1536xf32, #tpu.memory_space<hbm>> -> memref<16x1536xf32, #tpu.memory_space<hbm>>
    %dma_wait3A_184 = arith.constant 0 : i32
    %dma_wait3A_185 = tpu.memref_slice %arg7[%add3A_116, %dma_wait3A_184] : memref<2048x1536xf32, #tpu.memory_space<hbm>> -> memref<16x1536xf32, #tpu.memory_space<hbm>>
    tpu.wait_dma2 semaphore(%arg17 : memref<!tpu.dma_semaphore, #tpu.memory_space<semaphore_mem>>) src(%arg9 : memref<16x1536xf32, #tpu.memory_space<vmem>>) dst(%dma_wait3A_185 : memref<16x1536xf32, #tpu.memory_space<hbm>>)
    %dma_wait3A_186 = arith.constant 0 : i32
    %dma_wait3A_187 = tpu.memref_slice %arg7[%add3A_140, %dma_wait3A_186] : memref<2048x1536xf32, #tpu.memory_space<hbm>> -> memref<16x1536xf32, #tpu.memory_space<hbm>>
    %dma_wait3A_188 = arith.constant 0 : i32
    %dma_wait3A_189 = tpu.memref_slice %arg7[%add3A_140, %dma_wait3A_188] : memref<2048x1536xf32, #tpu.memory_space<hbm>> -> memref<16x1536xf32, #tpu.memory_space<hbm>>
    tpu.wait_dma2 semaphore(%arg18 : memref<!tpu.dma_semaphore, #tpu.memory_space<semaphore_mem>>) src(%arg10 : memref<16x1536xf32, #tpu.memory_space<vmem>>) dst(%dma_wait3A_189 : memref<16x1536xf32, #tpu.memory_space<hbm>>)
    %dma_wait3A_190 = arith.constant 0 : i32
    %dma_wait3A_191 = tpu.memref_slice %arg7[%add3A_164, %dma_wait3A_190] : memref<2048x1536xf32, #tpu.memory_space<hbm>> -> memref<16x1536xf32, #tpu.memory_space<hbm>>
    %dma_wait3A_192 = arith.constant 0 : i32
    %dma_wait3A_193 = tpu.memref_slice %arg7[%add3A_164, %dma_wait3A_192] : memref<2048x1536xf32, #tpu.memory_space<hbm>> -> memref<16x1536xf32, #tpu.memory_space<hbm>>
    tpu.wait_dma2 semaphore(%arg19 : memref<!tpu.dma_semaphore, #tpu.memory_space<semaphore_mem>>) src(%arg11 : memref<16x1536xf32, #tpu.memory_space<vmem>>) dst(%dma_wait3A_193 : memref<16x1536xf32, #tpu.memory_space<hbm>>)
    %dma_wait3A_194 = arith.constant 0 : i32
    %dma_wait3A_195 = tpu.memref_slice %arg7[%add3A_177, %dma_wait3A_194] : memref<2048x1536xf32, #tpu.memory_space<hbm>> -> memref<16x1536xf32, #tpu.memory_space<hbm>>
    %dma_wait3A_196 = arith.constant 0 : i32
    %dma_wait3A_197 = tpu.memref_slice %arg7[%add3A_177, %dma_wait3A_196] : memref<2048x1536xf32, #tpu.memory_space<hbm>> -> memref<16x1536xf32, #tpu.memory_space<hbm>>
    tpu.wait_dma2 semaphore(%arg20 : memref<!tpu.dma_semaphore, #tpu.memory_space<semaphore_mem>>) src(%arg12 : memref<16x1536xf32, #tpu.memory_space<vmem>>) dst(%dma_wait3A_197 : memref<16x1536xf32, #tpu.memory_space<hbm>>)
    return
  }
}

module attributes {stable_mosaic.version = 14 : i64} {
  func.func @_mlp_body(%arg0: i32, %arg1: memref<512x1xf32, #tpu.memory_space<vmem>>, %arg2: memref<512x1536xf32, #tpu.memory_space<vmem>>, %arg3: memref<512x1536xf32, #tpu.memory_space<vmem>>, %arg4: memref<3072x512xbf16, #tpu.memory_space<vmem>>, %arg5: memref<1x512xf32, #tpu.memory_space<vmem>>, %arg6: memref<512x512xbf16, #tpu.memory_space<vmem>>, %arg7: memref<1x512xf32, #tpu.memory_space<vmem>>, %arg8: memref<512x1xbf16, #tpu.memory_space<vmem>>, %arg9: memref<1x1xf32, #tpu.memory_space<vmem>>, %arg10: memref<512x1xf32, #tpu.memory_space<vmem>>) attributes {dimension_semantics = [#tpu.dimension_semantics<arbitrary>], iteration_bounds = array<i64: 4>, scalar_prefetch = 0 : i64, scratch_operands = 0 : i64, tpu.core_type = #tpu.core_type<tc>, window_params = [{transform_indices = @transform_0, window_bounds = array<i64: 512, 1>}, {transform_indices = @transform_1, window_bounds = array<i64: 512, 1536>}, {transform_indices = @transform_2, window_bounds = array<i64: 512, 1536>}, {pipeline_mode = #tpu.pipeline_mode<synchronous>, transform_indices = @transform_3, window_bounds = array<i64: 3072, 512>}, {pipeline_mode = #tpu.pipeline_mode<synchronous>, transform_indices = @transform_4, window_bounds = array<i64: 1, 512>}, {pipeline_mode = #tpu.pipeline_mode<synchronous>, transform_indices = @transform_5, window_bounds = array<i64: 512, 512>}, {pipeline_mode = #tpu.pipeline_mode<synchronous>, transform_indices = @transform_6, window_bounds = array<i64: 1, 512>}, {pipeline_mode = #tpu.pipeline_mode<synchronous>, transform_indices = @transform_7, window_bounds = array<i64: 512, 1>}, {pipeline_mode = #tpu.pipeline_mode<synchronous>, transform_indices = @transform_8, window_bounds = array<i64: 1, 1>}, {transform_indices = @transform_9, window_bounds = array<i64: 512, 1>}]} {
    %get3A = arith.constant 0 : index
    %get3A_0 = arith.constant 0 : index
    %get3A_1 = vector.load %arg2[%get3A, %get3A_0] : memref<512x1536xf32, #tpu.memory_space<vmem>>, vector<512x1536xf32>
    %convert_element_type3A = arith.truncf %get3A_1 : vector<512x1536xf32> to vector<512x1536xbf16>
    %get3A_2 = arith.constant 0 : index
    %get3A_3 = arith.constant 0 : index
    %get3A_4 = vector.load %arg3[%get3A_2, %get3A_3] : memref<512x1536xf32, #tpu.memory_space<vmem>>, vector<512x1536xf32>
    %convert_element_type3A_5 = arith.truncf %get3A_4 : vector<512x1536xf32> to vector<512x1536xbf16>
    %get3A_6 = arith.constant 0 : index
    %get3A_7 = arith.constant 0 : index
    %get3A_8 = vector.load %arg4[%get3A_6, %get3A_7] : memref<3072x512xbf16, #tpu.memory_space<vmem>>, vector<1536x512xbf16>
    %dot_general3A = arith.constant dense<0.000000e+00> : vector<512x512xf32>
    %dot_general3A_9 = tpu.matmul %convert_element_type3A, %get3A_8, %dot_general3A {dimension_numbers = #tpu.dot_dimension_numbers<[1], [0], [0], [1], [0, 0, 1, 1], [], []>, transpose_lhs_hint = false} : vector<512x1536xbf16>, vector<1536x512xbf16>, vector<512x512xf32> -> vector<512x512xf32>
    %get3A_10 = arith.constant 1536 : index
    %get3A_11 = arith.constant 0 : index
    %get3A_12 = vector.load %arg4[%get3A_10, %get3A_11] : memref<3072x512xbf16, #tpu.memory_space<vmem>>, vector<1536x512xbf16>
    %dot_general3A_13 = arith.constant dense<0.000000e+00> : vector<512x512xf32>
    %dot_general3A_14 = tpu.matmul %convert_element_type3A_5, %get3A_12, %dot_general3A_13 {dimension_numbers = #tpu.dot_dimension_numbers<[1], [0], [0], [1], [0, 0, 1, 1], [], []>, transpose_lhs_hint = false} : vector<512x1536xbf16>, vector<1536x512xbf16>, vector<512x512xf32> -> vector<512x512xf32>
    %add3A = arith.addf %dot_general3A_9, %dot_general3A_14 : vector<512x512xf32>
    %get3A_15 = arith.constant 0 : index
    %get3A_16 = arith.constant 0 : index
    %get3A_17 = vector.load %arg5[%get3A_15, %get3A_16] : memref<1x512xf32, #tpu.memory_space<vmem>>, vector<1x512xf32>
    %add3A_18 = vector.broadcast %get3A_17 : vector<1x512xf32> to vector<512x512xf32>
    %add3A_19 = arith.addf %add3A, %add3A_18 : vector<512x512xf32>
    %ge3A = arith.constant 0.000000e+00 : f32
    %ge3A_20 = vector.broadcast %ge3A : f32 to vector<512x512xf32>
    %ge3A_21 = arith.cmpf oge, %add3A_19, %ge3A_20 : vector<512x512xf32>
    %mul3A = arith.constant 0.00999999977 : f32
    %mul3A_22 = vector.broadcast %mul3A : f32 to vector<512x512xf32>
    %mul3A_23 = arith.mulf %mul3A_22, %add3A_19 : vector<512x512xf32>
    %select_n3A = arith.select %ge3A_21, %add3A_19, %mul3A_23 : vector<512x512xi1>, vector<512x512xf32>
    %convert_element_type3A_24 = arith.truncf %select_n3A : vector<512x512xf32> to vector<512x512xbf16>
    %get3A_25 = arith.constant 0 : index
    %get3A_26 = arith.constant 0 : index
    %get3A_27 = vector.load %arg6[%get3A_25, %get3A_26] : memref<512x512xbf16, #tpu.memory_space<vmem>>, vector<512x512xbf16>
    %dot_general3A_28 = arith.constant dense<0.000000e+00> : vector<512x512xf32>
    %dot_general3A_29 = tpu.matmul %convert_element_type3A_24, %get3A_27, %dot_general3A_28 {dimension_numbers = #tpu.dot_dimension_numbers<[1], [0], [0], [1], [0, 0, 1, 1], [], []>, transpose_lhs_hint = false} : vector<512x512xbf16>, vector<512x512xbf16>, vector<512x512xf32> -> vector<512x512xf32>
    %get3A_30 = arith.constant 0 : index
    %get3A_31 = arith.constant 0 : index
    %get3A_32 = vector.load %arg7[%get3A_30, %get3A_31] : memref<1x512xf32, #tpu.memory_space<vmem>>, vector<1x512xf32>
    %add3A_33 = vector.broadcast %get3A_32 : vector<1x512xf32> to vector<512x512xf32>
    %add3A_34 = arith.addf %dot_general3A_29, %add3A_33 : vector<512x512xf32>
    %ge3A_35 = arith.constant 0.000000e+00 : f32
    %ge3A_36 = vector.broadcast %ge3A_35 : f32 to vector<512x512xf32>
    %ge3A_37 = arith.cmpf oge, %add3A_34, %ge3A_36 : vector<512x512xf32>
    %mul3A_38 = arith.constant 0.00999999977 : f32
    %mul3A_39 = vector.broadcast %mul3A_38 : f32 to vector<512x512xf32>
    %mul3A_40 = arith.mulf %mul3A_39, %add3A_34 : vector<512x512xf32>
    %select_n3A_41 = arith.select %ge3A_37, %add3A_34, %mul3A_40 : vector<512x512xi1>, vector<512x512xf32>
    %convert_element_type3A_42 = arith.truncf %select_n3A_41 : vector<512x512xf32> to vector<512x512xbf16>
    %get3A_43 = arith.constant 0 : index
    %get3A_44 = arith.constant 0 : index
    %get3A_45 = vector.load %arg8[%get3A_43, %get3A_44] : memref<512x1xbf16, #tpu.memory_space<vmem>>, vector<512x1xbf16>
    %dot_general3A_46 = arith.constant dense<0.000000e+00> : vector<512x1xf32>
    %dot_general3A_47 = tpu.matmul %convert_element_type3A_42, %get3A_45, %dot_general3A_46 {dimension_numbers = #tpu.dot_dimension_numbers<[1], [0], [0], [1], [0, 0, 1, 1], [], []>, transpose_lhs_hint = false} : vector<512x512xbf16>, vector<512x1xbf16>, vector<512x1xf32> -> vector<512x1xf32>
    %get3A_48 = arith.constant 0 : index
    %get3A_49 = arith.constant 0 : index
    %get3A_50 = vector.load %arg9[%get3A_48, %get3A_49] : memref<1x1xf32, #tpu.memory_space<vmem>>, vector<1x1xf32>
    %add3A_51 = vector.broadcast %get3A_50 : vector<1x1xf32> to vector<512x1xf32>
    %add3A_52 = arith.addf %dot_general3A_47, %add3A_51 : vector<512x1xf32>
    %swap3A = arith.constant 0 : index
    %swap3A_53 = arith.constant 0 : index
    %swap3A_54 = vector.load %arg10[%swap3A, %swap3A_53] : memref<512x1xf32, #tpu.memory_space<vmem>>, vector<512x1xf32>
    tpu.vector_store %arg10[%swap3A, %swap3A_53], %add3A_52 {strides = array<i32>} : memref<512x1xf32, #tpu.memory_space<vmem>>, vector<512x1xf32>,
    return
  }
  func.func @transform_0(%arg0: i32) -> (i32, i32) {
    %add3A = arith.constant 0 : i32
    %add3A_0 = arith.addi %arg0, %add3A : i32
    %c0_i32 = arith.constant 0 : i32
    %c0_i32_1 = arith.constant 0 : i32
    return %add3A_0, %c0_i32 : i32, i32
  }
  func.func @transform_1(%arg0: i32) -> (i32, i32) {
    %c0_i32 = arith.constant 0 : i32
    %c0_i32_0 = arith.constant 0 : i32
    return %arg0, %c0_i32 : i32, i32
  }
  func.func @transform_2(%arg0: i32) -> (i32, i32) {
    %c0_i32 = arith.constant 0 : i32
    %c0_i32_0 = arith.constant 0 : i32
    return %arg0, %c0_i32 : i32, i32
  }
  func.func @transform_3(%arg0: i32) -> (i32, i32) {
    %c0_i32 = arith.constant 0 : i32
    %c0_i32_0 = arith.constant 0 : i32
    %c0_i32_1 = arith.constant 0 : i32
    return %c0_i32, %c0_i32_0 : i32, i32
  }
  func.func @transform_4(%arg0: i32) -> (i32, i32) {
    %c0_i32 = arith.constant 0 : i32
    %c0_i32_0 = arith.constant 0 : i32
    %c0_i32_1 = arith.constant 0 : i32
    return %c0_i32, %c0_i32_0 : i32, i32
  }
  func.func @transform_5(%arg0: i32) -> (i32, i32) {
    %c0_i32 = arith.constant 0 : i32
    %c0_i32_0 = arith.constant 0 : i32
    %c0_i32_1 = arith.constant 0 : i32
    return %c0_i32, %c0_i32_0 : i32, i32
  }
  func.func @transform_6(%arg0: i32) -> (i32, i32) {
    %c0_i32 = arith.constant 0 : i32
    %c0_i32_0 = arith.constant 0 : i32
    %c0_i32_1 = arith.constant 0 : i32
    return %c0_i32, %c0_i32_0 : i32, i32
  }
  func.func @transform_7(%arg0: i32) -> (i32, i32) {
    %c0_i32 = arith.constant 0 : i32
    %c0_i32_0 = arith.constant 0 : i32
    %c0_i32_1 = arith.constant 0 : i32
    return %c0_i32, %c0_i32_0 : i32, i32
  }
  func.func @transform_8(%arg0: i32) -> (i32, i32) {
    %c0_i32 = arith.constant 0 : i32
    %c0_i32_0 = arith.constant 0 : i32
    %c0_i32_1 = arith.constant 0 : i32
    return %c0_i32, %c0_i32_0 : i32, i32
  }
  func.func @transform_9(%arg0: i32) -> (i32, i32) {
    %add3A = arith.constant 0 : i32
    %add3A_0 = arith.addi %arg0, %add3A : i32
    %c0_i32 = arith.constant 0 : i32
    %c0_i32_1 = arith.constant 0 : i32
    return %add3A_0, %c0_i32 : i32, i32
  }
}

module attributes {stable_mosaic.version = 14 : i64} {
  func.func @_mlp_body(%arg0: i32, %arg1: memref<512x1xf32, #tpu.memory_space<vmem>>, %arg2: memref<512x1536xf32, #tpu.memory_space<vmem>>, %arg3: memref<512x1536xf32, #tpu.memory_space<vmem>>, %arg4: memref<3072x512xbf16, #tpu.memory_space<vmem>>, %arg5: memref<1x512xf32, #tpu.memory_space<vmem>>, %arg6: memref<512x512xbf16, #tpu.memory_space<vmem>>, %arg7: memref<1x512xf32, #tpu.memory_space<vmem>>, %arg8: memref<512x1xbf16, #tpu.memory_space<vmem>>, %arg9: memref<1x1xf32, #tpu.memory_space<vmem>>, %arg10: memref<512x1xf32, #tpu.memory_space<vmem>>) attributes {dimension_semantics = [#tpu.dimension_semantics<arbitrary>], iteration_bounds = array<i64: 4>, scalar_prefetch = 0 : i64, scratch_operands = 0 : i64, tpu.core_type = #tpu.core_type<tc>, window_params = [{transform_indices = @transform_0, window_bounds = array<i64: 512, 1>}, {transform_indices = @transform_1, window_bounds = array<i64: 512, 1536>}, {transform_indices = @transform_2, window_bounds = array<i64: 512, 1536>}, {pipeline_mode = #tpu.pipeline_mode<synchronous>, transform_indices = @transform_3, window_bounds = array<i64: 3072, 512>}, {pipeline_mode = #tpu.pipeline_mode<synchronous>, transform_indices = @transform_4, window_bounds = array<i64: 1, 512>}, {pipeline_mode = #tpu.pipeline_mode<synchronous>, transform_indices = @transform_5, window_bounds = array<i64: 512, 512>}, {pipeline_mode = #tpu.pipeline_mode<synchronous>, transform_indices = @transform_6, window_bounds = array<i64: 1, 512>}, {pipeline_mode = #tpu.pipeline_mode<synchronous>, transform_indices = @transform_7, window_bounds = array<i64: 512, 1>}, {pipeline_mode = #tpu.pipeline_mode<synchronous>, transform_indices = @transform_8, window_bounds = array<i64: 1, 1>}, {transform_indices = @transform_9, window_bounds = array<i64: 512, 1>}]} {
    %get3A = arith.constant 0 : index
    %get3A_0 = arith.constant 0 : index
    %get3A_1 = vector.load %arg2[%get3A, %get3A_0] : memref<512x1536xf32, #tpu.memory_space<vmem>>, vector<512x1536xf32>
    %convert_element_type3A = arith.truncf %get3A_1 : vector<512x1536xf32> to vector<512x1536xbf16>
    %get3A_2 = arith.constant 0 : index
    %get3A_3 = arith.constant 0 : index
    %get3A_4 = vector.load %arg3[%get3A_2, %get3A_3] : memref<512x1536xf32, #tpu.memory_space<vmem>>, vector<512x1536xf32>
    %convert_element_type3A_5 = arith.truncf %get3A_4 : vector<512x1536xf32> to vector<512x1536xbf16>
    %get3A_6 = arith.constant 0 : index
    %get3A_7 = arith.constant 0 : index
    %get3A_8 = vector.load %arg4[%get3A_6, %get3A_7] : memref<3072x512xbf16, #tpu.memory_space<vmem>>, vector<1536x512xbf16>
    %dot_general3A = arith.constant dense<0.000000e+00> : vector<512x512xf32>
    %dot_general3A_9 = tpu.matmul %convert_element_type3A, %get3A_8, %dot_general3A {dimension_numbers = #tpu.dot_dimension_numbers<[1], [0], [0], [1], [0, 0, 1, 1], [], []>, transpose_lhs_hint = false} : vector<512x1536xbf16>, vector<1536x512xbf16>, vector<512x512xf32> -> vector<512x512xf32>
    %get3A_10 = arith.constant 1536 : index
    %get3A_11 = arith.constant 0 : index
    %get3A_12 = vector.load %arg4[%get3A_10, %get3A_11] : memref<3072x512xbf16, #tpu.memory_space<vmem>>, vector<1536x512xbf16>
    %dot_general3A_13 = arith.constant dense<0.000000e+00> : vector<512x512xf32>
    %dot_general3A_14 = tpu.matmul %convert_element_type3A_5, %get3A_12, %dot_general3A_13 {dimension_numbers = #tpu.dot_dimension_numbers<[1], [0], [0], [1], [0, 0, 1, 1], [], []>, transpose_lhs_hint = false} : vector<512x1536xbf16>, vector<1536x512xbf16>, vector<512x512xf32> -> vector<512x512xf32>
    %add3A = arith.addf %dot_general3A_9, %dot_general3A_14 : vector<512x512xf32>
    %get3A_15 = arith.constant 0 : index
    %get3A_16 = arith.constant 0 : index
    %get3A_17 = vector.load %arg5[%get3A_15, %get3A_16] : memref<1x512xf32, #tpu.memory_space<vmem>>, vector<1x512xf32>
    %add3A_18 = vector.broadcast %get3A_17 : vector<1x512xf32> to vector<512x512xf32>
    %add3A_19 = arith.addf %add3A, %add3A_18 : vector<512x512xf32>
    %ge3A = arith.constant 0.000000e+00 : f32
    %ge3A_20 = vector.broadcast %ge3A : f32 to vector<512x512xf32>
    %ge3A_21 = arith.cmpf oge, %add3A_19, %ge3A_20 : vector<512x512xf32>
    %mul3A = arith.constant 0.00999999977 : f32
    %mul3A_22 = vector.broadcast %mul3A : f32 to vector<512x512xf32>
    %mul3A_23 = arith.mulf %mul3A_22, %add3A_19 : vector<512x512xf32>
    %select_n3A = arith.select %ge3A_21, %add3A_19, %mul3A_23 : vector<512x512xi1>, vector<512x512xf32>
    %convert_element_type3A_24 = arith.truncf %select_n3A : vector<512x512xf32> to vector<512x512xbf16>
    %get3A_25 = arith.constant 0 : index
    %get3A_26 = arith.constant 0 : index
    %get3A_27 = vector.load %arg6[%get3A_25, %get3A_26] : memref<512x512xbf16, #tpu.memory_space<vmem>>, vector<512x512xbf16>
    %dot_general3A_28 = arith.constant dense<0.000000e+00> : vector<512x512xf32>
    %dot_general3A_29 = tpu.matmul %convert_element_type3A_24, %get3A_27, %dot_general3A_28 {dimension_numbers = #tpu.dot_dimension_numbers<[1], [0], [0], [1], [0, 0, 1, 1], [], []>, transpose_lhs_hint = false} : vector<512x512xbf16>, vector<512x512xbf16>, vector<512x512xf32> -> vector<512x512xf32>
    %get3A_30 = arith.constant 0 : index
    %get3A_31 = arith.constant 0 : index
    %get3A_32 = vector.load %arg7[%get3A_30, %get3A_31] : memref<1x512xf32, #tpu.memory_space<vmem>>, vector<1x512xf32>
    %add3A_33 = vector.broadcast %get3A_32 : vector<1x512xf32> to vector<512x512xf32>
    %add3A_34 = arith.addf %dot_general3A_29, %add3A_33 : vector<512x512xf32>
    %ge3A_35 = arith.constant 0.000000e+00 : f32
    %ge3A_36 = vector.broadcast %ge3A_35 : f32 to vector<512x512xf32>
    %ge3A_37 = arith.cmpf oge, %add3A_34, %ge3A_36 : vector<512x512xf32>
    %mul3A_38 = arith.constant 0.00999999977 : f32
    %mul3A_39 = vector.broadcast %mul3A_38 : f32 to vector<512x512xf32>
    %mul3A_40 = arith.mulf %mul3A_39, %add3A_34 : vector<512x512xf32>
    %select_n3A_41 = arith.select %ge3A_37, %add3A_34, %mul3A_40 : vector<512x512xi1>, vector<512x512xf32>
    %convert_element_type3A_42 = arith.truncf %select_n3A_41 : vector<512x512xf32> to vector<512x512xbf16>
    %get3A_43 = arith.constant 0 : index
    %get3A_44 = arith.constant 0 : index
    %get3A_45 = vector.load %arg8[%get3A_43, %get3A_44] : memref<512x1xbf16, #tpu.memory_space<vmem>>, vector<512x1xbf16>
    %dot_general3A_46 = arith.constant dense<0.000000e+00> : vector<512x1xf32>
    %dot_general3A_47 = tpu.matmul %convert_element_type3A_42, %get3A_45, %dot_general3A_46 {dimension_numbers = #tpu.dot_dimension_numbers<[1], [0], [0], [1], [0, 0, 1, 1], [], []>, transpose_lhs_hint = false} : vector<512x512xbf16>, vector<512x1xbf16>, vector<512x1xf32> -> vector<512x1xf32>
    %get3A_48 = arith.constant 0 : index
    %get3A_49 = arith.constant 0 : index
    %get3A_50 = vector.load %arg9[%get3A_48, %get3A_49] : memref<1x1xf32, #tpu.memory_space<vmem>>, vector<1x1xf32>
    %add3A_51 = vector.broadcast %get3A_50 : vector<1x1xf32> to vector<512x1xf32>
    %add3A_52 = arith.addf %dot_general3A_47, %add3A_51 : vector<512x1xf32>
    %swap3A = arith.constant 0 : index
    %swap3A_53 = arith.constant 0 : index
    %swap3A_54 = vector.load %arg10[%swap3A, %swap3A_53] : memref<512x1xf32, #tpu.memory_space<vmem>>, vector<512x1xf32>
    tpu.vector_store %arg10[%swap3A, %swap3A_53], %add3A_52 {strides = array<i32>} : memref<512x1xf32, #tpu.memory_space<vmem>>, vector<512x1xf32>,
    return
  }
  func.func @transform_0(%arg0: i32) -> (i32, i32) {
    %add3A = arith.constant 4 : i32
    %add3A_0 = arith.addi %arg0, %add3A : i32
    %c0_i32 = arith.constant 0 : i32
    %c0_i32_1 = arith.constant 0 : i32
    return %add3A_0, %c0_i32 : i32, i32
  }
  func.func @transform_1(%arg0: i32) -> (i32, i32) {
    %c0_i32 = arith.constant 0 : i32
    %c0_i32_0 = arith.constant 0 : i32
    return %arg0, %c0_i32 : i32, i32
  }
  func.func @transform_2(%arg0: i32) -> (i32, i32) {
    %c0_i32 = arith.constant 0 : i32
    %c0_i32_0 = arith.constant 0 : i32
    return %arg0, %c0_i32 : i32, i32
  }
  func.func @transform_3(%arg0: i32) -> (i32, i32) {
    %c0_i32 = arith.constant 0 : i32
    %c0_i32_0 = arith.constant 0 : i32
    %c0_i32_1 = arith.constant 0 : i32
    return %c0_i32, %c0_i32_0 : i32, i32
  }
  func.func @transform_4(%arg0: i32) -> (i32, i32) {
    %c0_i32 = arith.constant 0 : i32
    %c0_i32_0 = arith.constant 0 : i32
    %c0_i32_1 = arith.constant 0 : i32
    return %c0_i32, %c0_i32_0 : i32, i32
  }
  func.func @transform_5(%arg0: i32) -> (i32, i32) {
    %c0_i32 = arith.constant 0 : i32
    %c0_i32_0 = arith.constant 0 : i32
    %c0_i32_1 = arith.constant 0 : i32
    return %c0_i32, %c0_i32_0 : i32, i32
  }
  func.func @transform_6(%arg0: i32) -> (i32, i32) {
    %c0_i32 = arith.constant 0 : i32
    %c0_i32_0 = arith.constant 0 : i32
    %c0_i32_1 = arith.constant 0 : i32
    return %c0_i32, %c0_i32_0 : i32, i32
  }
  func.func @transform_7(%arg0: i32) -> (i32, i32) {
    %c0_i32 = arith.constant 0 : i32
    %c0_i32_0 = arith.constant 0 : i32
    %c0_i32_1 = arith.constant 0 : i32
    return %c0_i32, %c0_i32_0 : i32, i32
  }
  func.func @transform_8(%arg0: i32) -> (i32, i32) {
    %c0_i32 = arith.constant 0 : i32
    %c0_i32_0 = arith.constant 0 : i32
    %c0_i32_1 = arith.constant 0 : i32
    return %c0_i32, %c0_i32_0 : i32, i32
  }
  func.func @transform_9(%arg0: i32) -> (i32, i32) {
    %add3A = arith.constant 4 : i32
    %add3A_0 = arith.addi %arg0, %add3A : i32
    %c0_i32 = arith.constant 0 : i32
    %c0_i32_1 = arith.constant 0 : i32
    return %add3A_0, %c0_i32 : i32, i32
  }
}

</mosaic_0001>

<sc_bundles>
// kernel: kernel.6.cloned.1.call-start
scs
__scs_entry_jumppad:
0x0: {  	(pc) =	sbr.rel $0x88, $3  }
0x1: {  	(tag) =	ssettag $0x0;
	lr =	simm.s32 $0x1  }
0x2: {  	[smem:$0x3F97] =	sst lr;
	_ =	strace $0xD0000000  }
0x3: {  	_ = 	snop  }
0x4: {  	_ = 	snop  }
0x5: {  	_ = 	snop  }
0x6: {  	_ = 	snop  }
0x7: {  	_ = 	snop  }
__scs_overlays_trampoline_lowered:
0x8: {  	[smem:$0x3FA6] =	sst s0  }
0x9: {  	[smem:$0x3FA7] =	sst s1  }
0xa: {  	[smem:$0x3FA8] =	sst s2  }
0xb: {  	[smem:$0x3FA9] =	sst s3  }
0xc: {  	[smem:$0x3FAA] =	sst s4  }
0xd: {  	[smem:$0x3FAB] =	sst s5  }
0xe: {  	[smem:$0x3FAC] =	sst s6  }
0xf: {  	[smem:$0x3FAD] =	sst s7  }
0x10: {  	[smem:$0x3FAE] =	sst s8  }
0x11: {  	[smem:$0x3FAF] =	sst s9;
	s0 =	simm.s32 @!p0 $0x0  }
0x12: {  	s1 =	sld [smem:$0x3F95];
	s0 =	simm.s32 @p0 $0x1  }
0x13: {  	[smem:$0x3FB0] =	sst s0;
	s0 =	simm.s32 @!p1 $0x0  }
0x14: {  	s2 =	sld [smem:$0x3F94];
	s0 =	simm.s32 @p1 $0x1  }
0x15: {  	[smem:$0x3FB1] =	sst s0;
	s0 =	simm.s32 @!p2 $0x0  }
0x16: {  	s3 =	sld [smem:$0x3FDB];
	s0 =	simm.s32 @p2 $0x1  }
0x17: {  	s4 =	simm.s32 $0x1BF5;
	[smem:$0x3FB3] =	sst s0  }
0x18: {  	s0 =	sld [smem:$0x3F96];
	_ =	swait.ge [sflag:s4], $0x0  }
0x19: {  	s7 =	sld [smem:$0x3F97]  }
0x1a: {  	s8 =	sadd.s32 $0xFFFFE003, lr  }
0x1b: {  	s9 =	sadd.s32 $0xFFFFFEF7, lr;
	s5 =	simm.s32 $0xFFFFFFFF;
	p2 =	slt.u32 s8, $0xFFFFF086  }
0x1c: {  	p1 =	slt.u32 s9, $0xF7A;
	s5 =	simm.s32 @!p2 $0x0  }
0x1d: {  	s5 =	simm.s32 @p1 $0x1;
	p0 =	seq.s32 s7, s2  }
0x1e: {  	s7 =	smul.u32 @!p0 $0xF7A, s2;
	p2 =	seq.s32 @!p0 s5, $0x0  }
0x1f: {  	s9 =	smul.u32 $0xF7A, s1;
	s8 =	simm.s32 @!p0 $0x1BF5;
	p2 =	por !p2, p0  }
0x20: {  	[sflag:s8] =	ssyncset.s32 @!p0 $0xFFFFF086;
	s6 =	sadd.s32 @!p0 s3, s7;
	s7 =	simm.s32 @!p0 $0x108  }
0x21: {  	s3 =	sadd.s32 s3, s9;
	s6 =	sadd.s32 @!p0 $0x88, s6;
	s7 =	simm.s32 @p2 $0x1082  }
0x22: {  	[simem:s7], [sflag:s8] =	dma.local @!p0 [hbm:s6], $0xF7A  }
0x23: {  	s9 =	sor.u32 $0xD0000000, s2;
	s6 =	simm.s32 $0x108;
	_ =	swait.ge @!p0 [sflag:s8], $0x0  }
0x24: {  	s3 =	sadd.s32 $0x88, s3;
	s6 =	simm.s32 @!p1 $0x1082;
	[sflag:s4] =	ssyncset.s32 $0xFFFFF086  }
0x25: {  	[simem:s6], [sflag:s4] =	dma.local [hbm:s3], $0xF7A  }
0x26: {  	[smem:$0x3F97] =	sst s1;
	(tag) =	ssettag s2;
	_ =	strace s9  }
0x27: {  	s1 =	sld [smem:$0x3FA7]  }
0x28: {  	s2 =	sld [smem:$0x3FA8]  }
0x29: {  	s4 =	sld [smem:$0x3FAA]  }
0x2a: {  	p0 =	seq.s32 s5, $0x0;
	s5 =	sld [smem:$0x3FAB]  }
0x2b: {  	s6 =	sld [smem:$0x3FAC]  }
0x2c: {  	s7 =	sld [smem:$0x3FAD]  }
0x2d: {  	s3 =	simm.s32 $0x108;
	s8 =	sld [smem:$0x3FAE]  }
0x2e: {  	s3 =	simm.s32 @!p0 $0x1082;
	s9 =	sld [smem:$0x3FAF]  }
0x2f: {  	lr =	sadd.s32 s0, s3;
	s0 =	sld [smem:$0x3FA6]  }
0x30: {  	s3 =	sld [smem:$0x3FA9]  }
0x31: {  	[smem:$0x3FB2] =	sst s10  }
0x32: {  	s10 =	sld [smem:$0x3FB0];
	_ =	sdelay $0x3  }
0x33: {  	p0 =	seq.s32 s10, $0x1;
	s10 =	sld [smem:$0x3FB2];
	_ =	sdelay $0x3  }
0x34: {  	[smem:$0x3FB2] =	sst s10  }
0x35: {  	s10 =	sld [smem:$0x3FB1];
	_ =	sdelay $0x3  }
0x36: {  	p1 =	seq.s32 s10, $0x1;
	s10 =	sld [smem:$0x3FB2];
	_ =	sdelay $0x3  }
0x37: {  	[smem:$0x3FB2] =	sst s10  }
0x38: {  	s10 =	sld [smem:$0x3FB3]  }
0x39: {  	_ = 	snop;
	(pc) =	sbr.ind lr, $3  }
0x3a: {  	_ = 	snop  }
0x3b: {  	_ = 	snop  }
0x3c: {  	p2 =	seq.s32 s10, $0x1;
	s10 =	sld [smem:$0x3FB2]  }
0x3d: {  	_ =	shalt  }
0x3e: {  	_ =	shalt  }
0x3f: {  	_ =	shalt  }
0x40: {  	_ =	shalt  }
0x41: {  	_ =	shalt  }
0x42: {  	_ =	shalt  }
0x43: {  	_ =	shalt  }
0x44: {  	_ =	shalt  }
0x45: {  	_ =	shalt  }
0x46: {  	_ =	shalt  }
0x47: {  	_ =	shalt  }
0x48: {  	_ =	shalt  }
0x49: {  	_ =	shalt  }
0x4a: {  	_ =	shalt  }
0x4b: {  	_ =	shalt  }
0x4c: {  	_ =	shalt  }
0x4d: {  	_ =	shalt  }
0x4e: {  	_ =	shalt  }
0x4f: {  	_ =	shalt  }
0x50: {  	_ =	shalt  }
0x51: {  	_ =	shalt  }
0x52: {  	_ =	shalt  }
0x53: {  	_ =	shalt  }
0x54: {  	_ =	shalt  }
0x55: {  	_ =	shalt  }
0x56: {  	_ =	shalt  }
0x57: {  	_ =	shalt  }
0x58: {  	_ =	shalt  }
0x59: {  	_ =	shalt  }
0x5a: {  	_ =	shalt  }
0x5b: {  	_ =	shalt  }
0x5c: {  	_ =	shalt  }
0x5d: {  	_ =	shalt  }
0x5e: {  	_ =	shalt  }
0x5f: {  	_ =	shalt  }
0x60: {  	_ =	shalt  }
0x61: {  	_ =	shalt  }
0x62: {  	_ =	shalt  }
0x63: {  	_ =	shalt  }
0x64: {  	_ =	shalt  }
0x65: {  	_ =	shalt  }
0x66: {  	_ =	shalt  }
0x67: {  	_ =	shalt  }
0x68: {  	_ =	shalt  }
0x69: {  	_ =	shalt  }
0x6a: {  	_ =	shalt  }
0x6b: {  	_ =	shalt  }
0x6c: {  	_ =	shalt  }
0x6d: {  	_ =	shalt  }
0x6e: {  	_ =	shalt  }
0x6f: {  	_ =	shalt  }
0x70: {  	_ =	shalt  }
0x71: {  	_ =	shalt  }
0x72: {  	_ =	shalt  }
0x73: {  	_ =	shalt  }
0x74: {  	_ =	shalt  }
0x75: {  	_ =	shalt  }
0x76: {  	_ =	shalt  }
0x77: {  	_ =	shalt  }
0x78: {  	_ =	shalt  }
0x79: {  	_ =	shalt  }
0x7a: {  	_ =	shalt  }
0x7b: {  	_ =	shalt  }
0x7c: {  	_ =	shalt  }
0x7d: {  	_ =	shalt  }
0x7e: {  	_ =	shalt  }
0x7f: {  	_ =	shalt  }
0x80: {  	_ =	shalt  }
0x81: {  	_ =	shalt  }
0x82: {  	_ =	shalt  }
0x83: {  	_ =	shalt  }
0x84: {  	_ =	shalt  }
0x85: {  	_ =	shalt  }
0x86: {  	_ =	shalt  }
0x87: {  	_ =	shalt  }
.Lfunc_end0:
.L_simem_size_0:
called_computation_lowered:
.L_overlay_start_0:
0x88: {  	s2 =	sld [smem:$0x3FD9]  }
0x89: {  	s3 =	sld [smem:$0x3FFE];
	_ =	sdelay $0x1  }
0x8a: {  	s1 =	srdreg.scid  }
0x8b: {  	s0 =	sand.u32 $0x1, s1  }
0x8c: {  	s17 =	sshll.u32 s0, $0xA;
	s2 =	sadd.s32 s3, s2  }
0x8d: {  	s2 =	sadd.s32 s2, s17  }
0x8e: {  	[smem:$0x3FBE] =	sst s2  }
0x8f: {  	_ = 	snop  }
0x90: {  	s2 =	sld [smem:$0x3FC9]  }
0x91: {  	s18 =	sld [smem:$0x3FC8]  }
0x92: {  	s4 =	sld [smem:$0x3FC7]  }
0x93: {  	s5 =	sld [smem:$0x3FC6];
	(tm) =	ssettm $0x1  }
0x94: {  	s6 =	sld [smem:$0x3FFB];
	_ =	sdelay $0x3  }
0x95: {  	_ =	strace s6  }
0x96: {  	s6 =	sld [smem:$0x3FFC];
	_ =	sdelay $0x3  }
0x97: {  	_ =	strace s6  }
0x98: {  	s6 =	sld [smem:$0x3FFD];
	_ =	sdelay $0x3  }
0x99: {  	_ =	strace s6  }
0x9a: {  	_ =	strace $0x8FFFFFFF  }
0x9b: {  	s19 =	sld [smem:$0x3FDB];
	_ =	sdelay $0x1  }
0x9c: {  	s7 =	simm.s32 $_scs_section_size  }
0x9d: {  	s8 =	simm.s32 $_size__tile_overlayer_lowered;
	s9 =	simm.s32 $_tile_overlayer_lowered  }
0x9e: {  	s22 =	simm.s32 $0x1BFF;
	s21 =	sshll.u32 s9, $0x1;
	s6 =	sadd.s32 s7, s19  }
0x9f: {  	s10 =	simm.s32 $0x0;
	s20 =	sshll.u32 s8, $0x1;
	s8 =	sadd.s32 s21, s6  }
0xa0: {  	[timem:s10], [sflag:s22] =	dma.local [hbm:s8], s20  }
0xa1: {  	_ =	swait.ge [sflag:s22], s20  }
0xa2: {  	s7 =	ssub.s32 $0x0, s20;
	[sflag:s22] =	ssyncset.done $0x0  }
0xa3: {  	[sflag:s22] =	ssyncadd.s32 s7;
	_ =	sdelay $0x1  }
0xa4: {  	s23 =	simm.s32 $0x1B8B  }
0xa5: {  	_ =	swait.ge [sflag:s23], $0x1  }
0xa6: {  	[sflag:s23] =	ssyncset.done $0x0  }
0xa7: {  	s25 =	simm.s32 $0x1B8E;
	s24 =	sld [smem:$0x3FFE];
	[sflag:s23] =	ssyncadd.s32 $0xFFFFFFFF  }
0xa8: {  	s26 =	simm.s32 $execute0_lowered;
	[smem:$0x3FD2] =	sst s25  }
0xa9: {  	s8 =	sshll.u32 s26, $0x1;
	_ =	strace $0x80000046;
	[dreg:$0x1] =	wrdreg $0xFFFFFFFF  }
0xaa: {  	s28 =	simm.s32 $_size_execute0_lowered;
	s6 =	sadd.s32 s6, s8;
	[dreg:$0x0] =	wrdreg $0x0  }
0xab: {  	s8 =	sshll.u32 s28, $0x1;
	[dreg:$0x2] =	wrdreg s6  }
0xac: {  	[dreg:$0x3] =	wrdreg s8  }
0xad: {  	[dreg:$0x4] =	wrdreg $0xC0  }
0xae: {  	_ =	task [dreg:s10], $0x5FFFF  }
0xaf: {  	[dreg:$0x1] =	wrdreg $0xFFFFFFFF  }
0xb0: {  	[dreg:$0x0] =	wrdreg $0x60  }
0xb1: {  	[dreg:$0x2] =	wrdreg s2  }
0xb2: {  	[dreg:$0x3] =	wrdreg s18  }
0xb3: {  	[dreg:$0x4] =	wrdreg s4  }
0xb4: {  	[dreg:$0x5] =	wrdreg s5  }
0xb5: {  	[dreg:$0x6] =	wrdreg s24  }
0xb6: {  	[dreg:$0x7] =	wrdreg $0x9  }
0xb7: {  	_ =	task.clear_ibuf [dreg:s10], $0x8FFFF;
	_ =	strace $0x90000046  }
0xb8: {  	s29 =	simm.s32 $0x9;
	_ =	strace $0x80000048  }
0xb9: {  	_ =	swait.ge [sflag:s29], $0x1  }
0xba: {  	[sflag:s29] =	ssyncadd.s32 $0xFFFFFFFF  }
0xbb: {  	_ =	strace $0x90000048  }
0xbc: {  	_ =	sfence  }
0xbd: {  	s30 =	sld [smem:$0x0];
	_ =	sdelay $0x2  }
0xbe: {  	s31 =	sshll.u32 s1, $0xD;
	s1 =	sshrl.u32 s1, $0x2  }
0xbf: {  	s3 =	sand.u32 $0x4000, s31;
	s1 =	sadd.s32 s1, s30  }
0xc0: {  	s0 =	sor.u32 s3, s0;
	s1 =	sshll.u32 s1, $0x11  }
0xc1: {  	s0 =	sor.u32 s1, s0  }
0xc2: {  	s0 =	sadd.s32 $0x8F2B, s0  }
0xc3: {  	[sflag:s0] =	ssyncadd.remote.s32 $0x1  }
0xc4: {  	_ =	sfence.sel $0xFFFF  }
0xc5: {  	[dreg:$0x0] =	wrdreg $0xFFFFFFFF;
	(pc) =	sbr.abs _section_cstart, $3  }
0xc6: {  	[dreg:$0x1] =	wrdreg $0xFFFFFFFF  }
0xc7: {  	_ =	task.clear_ibuf [dreg:s10], $0x2FFFF;
	_ =	strace $0x9FFFFFFF  }
0xc8: {  	(tm) =	ssettm $0x7FFFFFFF  }
0xc9: {  	_ =	shalt  }
tec
execute0_lowered:
.L_overlay_start_1:
0x0: {  	(tag) =	ssettag $0x1  }
0x1: {  	s0 =	rddreg [dreg:$0x0]  }
0x2: {  	s3 =	rddreg [dreg:$0x1]  }
0x3: {  	s1 =	rddreg [dreg:$0x2]  }
0x4: {  	s2 =	rddreg [dreg:$0x3]  }
0x5: {  	s5 =	rddreg [dreg:$0x4];
	s4 =	simm.s32 $0x0;
	s6 =	srdreg.scid  }
0x6: {  	s7 =	stileid.u32;
	s26 =	simm.s32 $0x80;
	s30 =	simm.s32 $0x100  }
0x7: {  	s31 =	simm.s32 $0x1900;
	s28 =	simm.s32 $0x2900;
	s29 =	simm.s32 $0x3100  }
0x8: {  	[smem:$0x7FF] =	sst s4;
	s6 =	sand.u32 $0x1, s6;
	s7 =	sshll.u32 s7, $0x4  }
0x9: {  	s9 =	sadd.s32 $0x1E00, s5;
	s13 =	sadd.s32 $0x61E00, s5;
	s5 =	sadd.s32 $0x100, s1  }
0xa: {  	s14 =	sadd.s32 $0x500, s2;
	_ =	strace $0x80000047;
	s8 =	sshll.u32 s6, $0x3  }
0xb: {  	s6 =	ssub.s32 $0x2, s6;
	[dreg:$0x10] =	wrdreg s26;
	s26 =	simm.s32 $0x4100  }
0xc: {  	s7 =	sor.u32 s8, s7;
	s17 =	sshrl.u32 s6, $0x1;
	s8 =	sadd.s32 $0x400, s1  }
0xd: {  	s0 =	sadd.s32 s0, s7;
	s18 =	sadd.s32 s3, s7;
	s19 =	smul.u32 $0x600, s7  }
0xe: {  	s15 =	ssub.s32 s6, s17;
	s20 =	smul.u32 $0x3000, s7;
	[dreg:$0x6] =	wrdreg s0  }
0xf: {  	s6 =	sadd.s32 $0x200, s1;
	s7 =	sadd.s32 $0x300, s1;
	[dreg:$0x7] =	wrdreg s18  }
0x10: {  	s18 =	simm.s32 $0xC100;
	s21 =	sadd.s32 s9, s19;
	s11 =	sor.u32 $0xC00, s19  }
0x11: {  	s0 =	sshrl.u32 s20, $0x3;
	s3 =	sadd.s32 s13, s19;
	s19 =	smax.u32 s15, $0x1  }
0x12: {  	s15 =	simm.s32 $0x5;
	[dreg:$0x8] =	wrdreg s21;
	s22 =	sadd.s32 s9, s11  }
0x13: {  	s12 =	sadd.s32 $0x1800, s0;
	s0 =	sadd.s32 $0x2400, s0;
	[dreg:$0xc] =	wrdreg s3  }
0x14: {  	s24 =	sadd.s32 s13, s11;
	s11 =	sadd.s32 $0x200, s2;
	[dreg:$0x9] =	wrdreg s22  }
0x15: {  	s10 =	sadd.s32 s9, s12;
	s23 =	sadd.s32 s9, s0;
	[dreg:$0xd] =	wrdreg s24  }
0x16: {  	s9 =	sadd.s32 $0x500, s1;
	s25 =	sadd.s32 s13, s12;
	[dreg:$0xa] =	wrdreg s10  }
0x17: {  	v2 =	vlaneseq.u32;
	s12 =	sadd.s32 $0x300, s2;
	s0 =	sadd.s32 s13, s0;
	[dreg:$0xb] =	wrdreg s23  }
0x18: {  	vm0 =	vmmov $0xffff;
	v1 =	vshrl.u32 v2, $0x3;
	s13 =	sadd.s32 $0x400, s2;
	s24 =	simm.s32 $0x1100;
	[dreg:$0xe] =	wrdreg s25  }
0x19: {  	v0 =	vand.u32 $0x7, v2;
	v2 =	vor.u32 $0x8, v2;
	v1 =	vmul.u32 $0x8, v1;
	s10 =	sadd.s32 $0x100, s2;
	[dreg:$0xf] =	wrdreg s0;
	s25 =	simm.s32 $0x4900  }
.LBB2_1:
0x1a: {  	s22 =	rddreg [dreg:$0x6];
	s16 =	simm.s32 $0x9  }
0x1b: {  	[tilespmem:s4], [sflag:$0x9] =	stream.linear.gather [hbm4b:s22+s4], $0x40, $0x38;
	[tilespmem:$0x18100] =	vst v63  }
0x1c: {  	_ =	swait.ge [sflag:s16], $0x40  }
0x1d: {  	s0 =	rddreg [dreg:$0x7];
	[sflag:s16] =	ssyncset.done $0x0  }
0x1e: {  	s23 =	rddreg [dreg:$0x10];
	[sflag:s16] =	ssyncadd.s32 $0xFFFFFFC0  }
0x1f: {  	[tilespmem:s23], [sflag:$0x9] =	stream.linear.gather [hbm4b:s0+s4], $0x40, $0x38;
	[tilespmem:$0x18100] =	vst v63  }
0x20: {  	_ =	swait.ge [sflag:s16], $0x40  }
0x21: {  	[sflag:s16] =	ssyncset.done $0x0  }
0x22: {  	[sflag:s16] =	ssyncadd.s32 $0xFFFFFFC0  }
0x23: {  	v3 =	vld [tilespmem:$0x0];
	_ =	sdelay $0x4  }
0x24: {  	v4 =	vshrl.u32 v3, $0x3  }
0x25: {  	v4 =	vmul.u32 $0x60, v4  }
0x26: {  	v3 =	vand.u32 $0x7, v3  }
0x27: {  	v3 =	vor.u32 v3, v4  }
0x28: {  	v4 =	vperm.xlane v3, v0;
	_ =	sdelay $0x1  }
0x29: {  	v4 =	vadd.s32 v1, v4;
	_ =	sdelay $0x3  }
0x2a: {  	s2 =	rddreg [dreg:$0x2]  }
0x2b: {  	[tilespmem:s30], [sflag:$0x1] =	stream.indirect_vreg.gather [hbm4b:s2+s4], $0x80, v4, vm0, $0xb8;
	[tilespmem:$0x18100] =	vst v63  }
0x2c: {  	s23 =	simm.s32 $0x900  }
0x2d: {  	[tilespmem:s23], [sflag:$0x1] =	stream.indirect_vreg.gather [hbm4b:s5+s4], $0x80, v4, vm0, $0xb8;
	[tilespmem:$0x18100] =	vst v63  }
0x2e: {  	_ = 	snop  }
0x2f: {  	[tilespmem:s24], [sflag:$0x1] =	stream.indirect_vreg.gather [hbm4b:s6+s4], $0x80, v4, vm0, $0xb8;
	[tilespmem:$0x18100] =	vst v63  }
0x30: {  	v3 =	vperm.xlane v3, v2  }
0x31: {  	[tilespmem:s31], [sflag:$0x1] =	stream.indirect_vreg.gather [hbm4b:s7+s4], $0x80, v4, vm0, $0xb8;
	[tilespmem:$0x18100] =	vst v63  }
0x32: {  	s21 =	simm.s32 $0x2100;
	v3 =	vadd.s32 v1, v3  }
0x33: {  	[tilespmem:s21], [sflag:$0x1] =	stream.indirect_vreg.gather [hbm4b:s8+s4], $0x80, v4, vm0, $0xb8;
	[tilespmem:$0x18100] =	vst v63  }
0x34: {  	_ = 	snop  }
0x35: {  	[tilespmem:s28], [sflag:$0x1] =	stream.indirect_vreg.gather [hbm4b:s9+s4], $0x80, v4, vm0, $0xb8;
	[tilespmem:$0x18100] =	vst v63  }
0x36: {  	_ = 	snop  }
0x37: {  	[tilespmem:s29], [sflag:$0x1] =	stream.indirect_vreg.gather [hbm4b:s2+s4], $0x80, v3, vm0, $0xb8;
	[tilespmem:$0x18100] =	vst v63  }
0x38: {  	s20 =	simm.s32 $0x3900  }
0x39: {  	[tilespmem:s20], [sflag:$0x1] =	stream.indirect_vreg.gather [hbm4b:s5+s4], $0x80, v3, vm0, $0xb8;
	[tilespmem:$0x18100] =	vst v63  }
0x3a: {  	_ = 	snop  }
0x3b: {  	[tilespmem:s26], [sflag:$0x1] =	stream.indirect_vreg.gather [hbm4b:s6+s4], $0x80, v3, vm0, $0xb8;
	[tilespmem:$0x18100] =	vst v63  }
0x3c: {  	_ = 	snop  }
0x3d: {  	[tilespmem:s25], [sflag:$0x1] =	stream.indirect_vreg.gather [hbm4b:s7+s4], $0x80, v3, vm0, $0xb8;
	[tilespmem:$0x18100] =	vst v63  }
0x3e: {  	s0 =	simm.s32 $0x5100  }
0x3f: {  	[tilespmem:s0], [sflag:$0x1] =	stream.indirect_vreg.gather [hbm4b:s8+s4], $0x80, v3, vm0, $0xb8;
	[tilespmem:$0x18100] =	vst v63  }
0x40: {  	s1 =	simm.s32 $0x5900  }
0x41: {  	[tilespmem:s1], [sflag:$0x1] =	stream.indirect_vreg.gather [hbm4b:s9+s4], $0x80, v3, vm0, $0xb8;
	[tilespmem:$0x18100] =	vst v63  }
0x42: {  	v3 =	vld [tilespmem:$0x10];
	_ =	sdelay $0x4  }
0x43: {  	v57 =	vshrl.u32 v3, $0x3  }
0x44: {  	v4 =	vmul.u32 $0x60, v57  }
0x45: {  	v3 =	vand.u32 $0x7, v3  }
0x46: {  	v3 =	vor.u32 v3, v4  }
0x47: {  	v4 =	vperm.xlane v3, v0;
	_ =	sdelay $0x1  }
0x48: {  	v4 =	vadd.s32 v1, v4;
	_ =	sdelay $0x3  }
0x49: {  	s17 =	simm.s32 $0x6100  }
0x4a: {  	[tilespmem:s17], [sflag:$0x2] =	stream.indirect_vreg.gather [hbm4b:s2+s4], $0x80, v4, vm0, $0xb8;
	[tilespmem:$0x18100] =	vst v63  }
0x4b: {  	s3 =	simm.s32 $0x6900  }
0x4c: {  	[tilespmem:s3], [sflag:$0x2] =	stream.indirect_vreg.gather [hbm4b:s5+s4], $0x80, v4, vm0, $0xb8;
	[tilespmem:$0x18100] =	vst v63  }
0x4d: {  	s16 =	simm.s32 $0x7100  }
0x4e: {  	[tilespmem:s16], [sflag:$0x2] =	stream.indirect_vreg.gather [hbm4b:s6+s4], $0x80, v4, vm0, $0xb8;
	[tilespmem:$0x18100] =	vst v63  }
0x4f: {  	s22 =	simm.s32 $0x7900;
	v3 =	vperm.xlane v3, v2  }
0x50: {  	[tilespmem:s22], [sflag:$0x2] =	stream.indirect_vreg.gather [hbm4b:s7+s4], $0x80, v4, vm0, $0xb8;
	[tilespmem:$0x18100] =	vst v63  }
0x51: {  	s1 =	simm.s32 $0x8100;
	v3 =	vadd.s32 v1, v3  }
0x52: {  	[tilespmem:s1], [sflag:$0x2] =	stream.indirect_vreg.gather [hbm4b:s8+s4], $0x80, v4, vm0, $0xb8;
	[tilespmem:$0x18100] =	vst v63  }
0x53: {  	s3 =	simm.s32 $0x8900  }
0x54: {  	[tilespmem:s3], [sflag:$0x2] =	stream.indirect_vreg.gather [hbm4b:s9+s4], $0x80, v4, vm0, $0xb8;
	[tilespmem:$0x18100] =	vst v63  }
0x55: {  	s16 =	simm.s32 $0x9100  }
0x56: {  	[tilespmem:s16], [sflag:$0x2] =	stream.indirect_vreg.gather [hbm4b:s2+s4], $0x80, v3, vm0, $0xb8;
	[tilespmem:$0x18100] =	vst v63  }
0x57: {  	s22 =	simm.s32 $0x9900  }
0x58: {  	[tilespmem:s22], [sflag:$0x2] =	stream.indirect_vreg.gather [hbm4b:s5+s4], $0x80, v3, vm0, $0xb8;
	[tilespmem:$0x18100] =	vst v63  }
0x59: {  	s1 =	simm.s32 $0xA100  }
0x5a: {  	[tilespmem:s1], [sflag:$0x2] =	stream.indirect_vreg.gather [hbm4b:s6+s4], $0x80, v3, vm0, $0xb8;
	[tilespmem:$0x18100] =	vst v63  }
0x5b: {  	s3 =	simm.s32 $0xA900  }
0x5c: {  	[tilespmem:s3], [sflag:$0x2] =	stream.indirect_vreg.gather [hbm4b:s7+s4], $0x80, v3, vm0, $0xb8;
	[tilespmem:$0x18100] =	vst v63  }
0x5d: {  	s16 =	simm.s32 $0xB100  }
0x5e: {  	[tilespmem:s16], [sflag:$0x2] =	stream.indirect_vreg.gather [hbm4b:s8+s4], $0x80, v3, vm0, $0xb8;
	[tilespmem:$0x18100] =	vst v63  }
0x5f: {  	s0 =	simm.s32 $0x1;
	s22 =	simm.s32 $0xB900  }
0x60: {  	[tilespmem:s22], [sflag:$0x2] =	stream.indirect_vreg.gather [hbm4b:s9+s4], $0x80, v3, vm0, $0xb8;
	[tilespmem:$0x18100] =	vst v63  }
0x61: {  	_ =	swait.ge [sflag:s0], $0x6000  }
0x62: {  	[sflag:s0] =	ssyncset.done $0x0  }
0x63: {  	s1 =	rddreg [dreg:$0x8];
	[sflag:s0] =	ssyncadd.s32 $0xFFFFA000  }
0x64: {  	[hbm4b:s1+s4] =	stream.linear.scatter [tilespmem:s30], [sflag:$0x5], $0x6000, $0x38;
	[tilespmem:$0x18100] =	vst v63  }
0x65: {  	v3 =	vld [tilespmem:$0x20];
	_ =	sdelay $0x4  }
0x66: {  	v58 =	vshrl.u32 v3, $0x3  }
0x67: {  	v4 =	vmul.u32 $0x60, v58  }
0x68: {  	v3 =	vand.u32 $0x7, v3  }
0x69: {  	v3 =	vor.u32 v3, v4  }
0x6a: {  	v4 =	vperm.xlane v3, v0;
	_ =	sdelay $0x1  }
0x6b: {  	v4 =	vadd.s32 v1, v4;
	_ =	sdelay $0x4  }
0x6c: {  	[tilespmem:s18], [sflag:$0x3] =	stream.indirect_vreg.gather [hbm4b:s2+s4], $0x80, v4, vm0, $0xb8;
	[tilespmem:$0x18100] =	vst v63  }
0x6d: {  	s1 =	simm.s32 $0xC900  }
0x6e: {  	[tilespmem:s1], [sflag:$0x3] =	stream.indirect_vreg.gather [hbm4b:s5+s4], $0x80, v4, vm0, $0xb8;
	[tilespmem:$0x18100] =	vst v63  }
0x6f: {  	s3 =	simm.s32 $0xD100  }
0x70: {  	[tilespmem:s3], [sflag:$0x3] =	stream.indirect_vreg.gather [hbm4b:s6+s4], $0x80, v4, vm0, $0xb8;
	[tilespmem:$0x18100] =	vst v63  }
0x71: {  	s16 =	simm.s32 $0xD900;
	v3 =	vperm.xlane v3, v2  }
0x72: {  	[tilespmem:s16], [sflag:$0x3] =	stream.indirect_vreg.gather [hbm4b:s7+s4], $0x80, v4, vm0, $0xb8;
	[tilespmem:$0x18100] =	vst v63  }
0x73: {  	s22 =	simm.s32 $0xE100;
	v3 =	vadd.s32 v1, v3  }
0x74: {  	[tilespmem:s22], [sflag:$0x3] =	stream.indirect_vreg.gather [hbm4b:s8+s4], $0x80, v4, vm0, $0xb8;
	[tilespmem:$0x18100] =	vst v63  }
0x75: {  	s3 =	simm.s32 $0xE900  }
0x76: {  	[tilespmem:s3], [sflag:$0x3] =	stream.indirect_vreg.gather [hbm4b:s9+s4], $0x80, v4, vm0, $0xb8;
	[tilespmem:$0x18100] =	vst v63  }
0x77: {  	s16 =	simm.s32 $0xF100  }
0x78: {  	[tilespmem:s16], [sflag:$0x3] =	stream.indirect_vreg.gather [hbm4b:s2+s4], $0x80, v3, vm0, $0xb8;
	[tilespmem:$0x18100] =	vst v63  }
0x79: {  	s22 =	simm.s32 $0xF900  }
0x7a: {  	[tilespmem:s22], [sflag:$0x3] =	stream.indirect_vreg.gather [hbm4b:s5+s4], $0x80, v3, vm0, $0xb8;
	[tilespmem:$0x18100] =	vst v63  }
0x7b: {  	s3 =	simm.s32 $0x10100  }
0x7c: {  	[tilespmem:s3], [sflag:$0x3] =	stream.indirect_vreg.gather [hbm4b:s6+s4], $0x80, v3, vm0, $0xb8;
	[tilespmem:$0x18100] =	vst v63  }
0x7d: {  	s16 =	simm.s32 $0x10900  }
0x7e: {  	[tilespmem:s16], [sflag:$0x3] =	stream.indirect_vreg.gather [hbm4b:s7+s4], $0x80, v3, vm0, $0xb8;
	[tilespmem:$0x18100] =	vst v63  }
0x7f: {  	s22 =	simm.s32 $0x11100  }
0x80: {  	[tilespmem:s22], [sflag:$0x3] =	stream.indirect_vreg.gather [hbm4b:s8+s4], $0x80, v3, vm0, $0xb8;
	[tilespmem:$0x18100] =	vst v63  }
0x81: {  	s1 =	simm.s32 $0x2;
	s3 =	simm.s32 $0x11900  }
0x82: {  	[tilespmem:s3], [sflag:$0x3] =	stream.indirect_vreg.gather [hbm4b:s9+s4], $0x80, v3, vm0, $0xb8;
	[tilespmem:$0x18100] =	vst v63  }
0x83: {  	_ =	swait.ge [sflag:s1], $0x6000  }
0x84: {  	[sflag:s1] =	ssyncset.done $0x0  }
0x85: {  	s16 =	rddreg [dreg:$0x9];
	[sflag:s1] =	ssyncadd.s32 $0xFFFFA000  }
0x86: {  	[hbm4b:s16+s4] =	stream.linear.scatter [tilespmem:s17], [sflag:$0x6], $0x6000, $0x38;
	[tilespmem:$0x18100] =	vst v63  }
0x87: {  	v3 =	vld [tilespmem:$0x30];
	_ =	sdelay $0x4  }
0x88: {  	v59 =	vshrl.u32 v3, $0x3  }
0x89: {  	v4 =	vmul.u32 $0x60, v59  }
0x8a: {  	v3 =	vand.u32 $0x7, v3  }
0x8b: {  	v3 =	vor.u32 v3, v4  }
0x8c: {  	v4 =	vperm.xlane v3, v0;
	_ =	sdelay $0x1  }
0x8d: {  	v4 =	vadd.s32 v1, v4;
	_ =	sdelay $0x3  }
0x8e: {  	s16 =	simm.s32 $0x12100  }
0x8f: {  	[tilespmem:s16], [sflag:$0x4] =	stream.indirect_vreg.gather [hbm4b:s2+s4], $0x80, v4, vm0, $0xb8;
	[tilespmem:$0x18100] =	vst v63  }
0x90: {  	s3 =	simm.s32 $0x12900  }
0x91: {  	[tilespmem:s3], [sflag:$0x4] =	stream.indirect_vreg.gather [hbm4b:s5+s4], $0x80, v4, vm0, $0xb8;
	[tilespmem:$0x18100] =	vst v63  }
0x92: {  	s22 =	simm.s32 $0x13100  }
0x93: {  	[tilespmem:s22], [sflag:$0x4] =	stream.indirect_vreg.gather [hbm4b:s6+s4], $0x80, v4, vm0, $0xb8;
	[tilespmem:$0x18100] =	vst v63  }
0x94: {  	v3 =	vperm.xlane v3, v2;
	s22 =	simm.s32 $0x13900  }
0x95: {  	[tilespmem:s22], [sflag:$0x4] =	stream.indirect_vreg.gather [hbm4b:s7+s4], $0x80, v4, vm0, $0xb8;
	[tilespmem:$0x18100] =	vst v63  }
0x96: {  	v3 =	vadd.s32 v1, v3;
	s22 =	simm.s32 $0x14100  }
0x97: {  	[tilespmem:s22], [sflag:$0x4] =	stream.indirect_vreg.gather [hbm4b:s8+s4], $0x80, v4, vm0, $0xb8;
	[tilespmem:$0x18100] =	vst v63  }
0x98: {  	s22 =	simm.s32 $0x14900  }
0x99: {  	[tilespmem:s22], [sflag:$0x4] =	stream.indirect_vreg.gather [hbm4b:s9+s4], $0x80, v4, vm0, $0xb8;
	[tilespmem:$0x18100] =	vst v63  }
0x9a: {  	s22 =	simm.s32 $0x15100  }
0x9b: {  	[tilespmem:s22], [sflag:$0x4] =	stream.indirect_vreg.gather [hbm4b:s2+s4], $0x80, v3, vm0, $0xb8;
	[tilespmem:$0x18100] =	vst v63  }
0x9c: {  	s22 =	simm.s32 $0x15900  }
0x9d: {  	[tilespmem:s22], [sflag:$0x4] =	stream.indirect_vreg.gather [hbm4b:s5+s4], $0x80, v3, vm0, $0xb8;
	[tilespmem:$0x18100] =	vst v63  }
0x9e: {  	s3 =	simm.s32 $0x16100  }
0x9f: {  	[tilespmem:s3], [sflag:$0x4] =	stream.indirect_vreg.gather [hbm4b:s6+s4], $0x80, v3, vm0, $0xb8;
	[tilespmem:$0x18100] =	vst v63  }
0xa0: {  	s22 =	simm.s32 $0x16900  }
0xa1: {  	[tilespmem:s22], [sflag:$0x4] =	stream.indirect_vreg.gather [hbm4b:s7+s4], $0x80, v3, vm0, $0xb8;
	[tilespmem:$0x18100] =	vst v63  }
0xa2: {  	s3 =	simm.s32 $0x17100  }
0xa3: {  	[tilespmem:s3], [sflag:$0x4] =	stream.indirect_vreg.gather [hbm4b:s8+s4], $0x80, v3, vm0, $0xb8;
	[tilespmem:$0x18100] =	vst v63  }
0xa4: {  	s22 =	simm.s32 $0x17900;
	s3 =	simm.s32 $0x3  }
0xa5: {  	[tilespmem:s22], [sflag:$0x4] =	stream.indirect_vreg.gather [hbm4b:s9+s4], $0x80, v3, vm0, $0xb8;
	[tilespmem:$0x18100] =	vst v63  }
0xa6: {  	_ =	swait.ge [sflag:s3], $0x6000  }
0xa7: {  	[sflag:s3] =	ssyncset.done $0x0  }
0xa8: {  	s2 =	rddreg [dreg:$0xa];
	[sflag:s3] =	ssyncadd.s32 $0xFFFFA000  }
0xa9: {  	[hbm4b:s2+s4] =	stream.linear.scatter [tilespmem:s18], [sflag:$0x7], $0x6000, $0x38;
	[tilespmem:$0x18100] =	vst v63  }
0xaa: {  	_ =	swait.ge [sflag:s15], $0x6000  }
0xab: {  	[sflag:s15] =	ssyncset.done $0x0  }
0xac: {  	[sflag:s15] =	ssyncadd.s32 $0xFFFFA000  }
0xad: {  	v3 =	vld [tilespmem:$0x80];
	_ =	sdelay $0x4  }
0xae: {  	v60 =	vshrl.u32 v3, $0x3  }
0xaf: {  	v4 =	vmul.u32 $0x60, v60  }
0xb0: {  	v3 =	vand.u32 $0x7, v3  }
0xb1: {  	v3 =	vor.u32 v3, v4  }
0xb2: {  	v4 =	vperm.xlane v3, v0;
	_ =	sdelay $0x1  }
0xb3: {  	v4 =	vadd.s32 v1, v4;
	_ =	sdelay $0x3  }
0xb4: {  	s2 =	rddreg [dreg:$0x3]  }
0xb5: {  	[tilespmem:s30], [sflag:$0x1] =	stream.indirect_vreg.gather [hbm4b:s2+s4], $0x80, v4, vm0, $0xb8;
	[tilespmem:$0x18100] =	vst v63  }
0xb6: {  	_ = 	snop  }
0xb7: {  	[tilespmem:s23], [sflag:$0x1] =	stream.indirect_vreg.gather [hbm4b:s10+s4], $0x80, v4, vm0, $0xb8;
	[tilespmem:$0x18100] =	vst v63  }
0xb8: {  	_ = 	snop  }
0xb9: {  	[tilespmem:s24], [sflag:$0x1] =	stream.indirect_vreg.gather [hbm4b:s11+s4], $0x80, v4, vm0, $0xb8;
	[tilespmem:$0x18100] =	vst v63  }
0xba: {  	v3 =	vperm.xlane v3, v2  }
0xbb: {  	[tilespmem:s31], [sflag:$0x1] =	stream.indirect_vreg.gather [hbm4b:s12+s4], $0x80, v4, vm0, $0xb8;
	[tilespmem:$0x18100] =	vst v63  }
0xbc: {  	v3 =	vadd.s32 v1, v3  }
0xbd: {  	[tilespmem:s21], [sflag:$0x1] =	stream.indirect_vreg.gather [hbm4b:s13+s4], $0x80, v4, vm0, $0xb8;
	[tilespmem:$0x18100] =	vst v63  }
0xbe: {  	_ = 	snop  }
0xbf: {  	[tilespmem:s28], [sflag:$0x1] =	stream.indirect_vreg.gather [hbm4b:s14+s4], $0x80, v4, vm0, $0xb8;
	[tilespmem:$0x18100] =	vst v63  }
0xc0: {  	_ = 	snop  }
0xc1: {  	[tilespmem:s29], [sflag:$0x1] =	stream.indirect_vreg.gather [hbm4b:s2+s4], $0x80, v3, vm0, $0xb8;
	[tilespmem:$0x18100] =	vst v63  }
0xc2: {  	_ = 	snop  }
0xc3: {  	[tilespmem:s20], [sflag:$0x1] =	stream.indirect_vreg.gather [hbm4b:s10+s4], $0x80, v3, vm0, $0xb8;
	[tilespmem:$0x18100] =	vst v63  }
0xc4: {  	_ = 	snop  }
0xc5: {  	[tilespmem:s26], [sflag:$0x1] =	stream.indirect_vreg.gather [hbm4b:s11+s4], $0x80, v3, vm0, $0xb8;
	[tilespmem:$0x18100] =	vst v63  }
0xc6: {  	_ = 	snop  }
0xc7: {  	[tilespmem:s25], [sflag:$0x1] =	stream.indirect_vreg.gather [hbm4b:s12+s4], $0x80, v3, vm0, $0xb8;
	[tilespmem:$0x18100] =	vst v63  }
0xc8: {  	s22 =	simm.s32 $0x5100  }
0xc9: {  	[tilespmem:s22], [sflag:$0x1] =	stream.indirect_vreg.gather [hbm4b:s13+s4], $0x80, v3, vm0, $0xb8;
	[tilespmem:$0x18100] =	vst v63  }
0xca: {  	s23 =	simm.s32 $0x5900;
	s20 =	simm.s32 $0x4  }
0xcb: {  	[tilespmem:s23], [sflag:$0x1] =	stream.indirect_vreg.gather [hbm4b:s14+s4], $0x80, v3, vm0, $0xb8;
	[tilespmem:$0x18100] =	vst v63  }
0xcc: {  	_ =	swait.ge [sflag:s20], $0x6000  }
0xcd: {  	[sflag:s20] =	ssyncset.done $0x0  }
0xce: {  	s21 =	rddreg [dreg:$0xb];
	[sflag:s20] =	ssyncadd.s32 $0xFFFFA000  }
0xcf: {  	[hbm4b:s21+s4] =	stream.linear.scatter [tilespmem:s16], [sflag:$0x8], $0x6000, $0x38;
	[tilespmem:$0x18100] =	vst v63  }
0xd0: {  	s21 =	simm.s32 $0x6  }
0xd1: {  	_ =	swait.ge [sflag:s21], $0x6000  }
0xd2: {  	[sflag:s21] =	ssyncset.done $0x0  }
0xd3: {  	[sflag:s21] =	ssyncadd.s32 $0xFFFFA000  }
0xd4: {  	v3 =	vld [tilespmem:$0x90];
	_ =	sdelay $0x4  }
0xd5: {  	v61 =	vshrl.u32 v3, $0x3  }
0xd6: {  	v4 =	vmul.u32 $0x60, v61  }
0xd7: {  	v3 =	vand.u32 $0x7, v3  }
0xd8: {  	v3 =	vor.u32 v3, v4  }
0xd9: {  	v4 =	vperm.xlane v3, v0;
	_ =	sdelay $0x1  }
0xda: {  	v4 =	vadd.s32 v1, v4;
	_ =	sdelay $0x4  }
0xdb: {  	[tilespmem:s17], [sflag:$0x2] =	stream.indirect_vreg.gather [hbm4b:s2+s4], $0x80, v4, vm0, $0xb8;
	[tilespmem:$0x18100] =	vst v63  }
0xdc: {  	s23 =	simm.s32 $0x6900  }
0xdd: {  	[tilespmem:s23], [sflag:$0x2] =	stream.indirect_vreg.gather [hbm4b:s10+s4], $0x80, v4, vm0, $0xb8;
	[tilespmem:$0x18100] =	vst v63  }
0xde: {  	s23 =	simm.s32 $0x7100  }
0xdf: {  	[tilespmem:s23], [sflag:$0x2] =	stream.indirect_vreg.gather [hbm4b:s11+s4], $0x80, v4, vm0, $0xb8;
	[tilespmem:$0x18100] =	vst v63  }
0xe0: {  	v3 =	vperm.xlane v3, v2;
	s23 =	simm.s32 $0x7900  }
0xe1: {  	[tilespmem:s23], [sflag:$0x2] =	stream.indirect_vreg.gather [hbm4b:s12+s4], $0x80, v4, vm0, $0xb8;
	[tilespmem:$0x18100] =	vst v63  }
0xe2: {  	v3 =	vadd.s32 v1, v3;
	s23 =	simm.s32 $0x8100  }
0xe3: {  	[tilespmem:s23], [sflag:$0x2] =	stream.indirect_vreg.gather [hbm4b:s13+s4], $0x80, v4, vm0, $0xb8;
	[tilespmem:$0x18100] =	vst v63  }
0xe4: {  	s23 =	simm.s32 $0x8900  }
0xe5: {  	[tilespmem:s23], [sflag:$0x2] =	stream.indirect_vreg.gather [hbm4b:s14+s4], $0x80, v4, vm0, $0xb8;
	[tilespmem:$0x18100] =	vst v63  }
0xe6: {  	s23 =	simm.s32 $0x9100  }
0xe7: {  	[tilespmem:s23], [sflag:$0x2] =	stream.indirect_vreg.gather [hbm4b:s2+s4], $0x80, v3, vm0, $0xb8;
	[tilespmem:$0x18100] =	vst v63  }
0xe8: {  	s23 =	simm.s32 $0x9900  }
0xe9: {  	[tilespmem:s23], [sflag:$0x2] =	stream.indirect_vreg.gather [hbm4b:s10+s4], $0x80, v3, vm0, $0xb8;
	[tilespmem:$0x18100] =	vst v63  }
0xea: {  	s23 =	simm.s32 $0xA100  }
0xeb: {  	[tilespmem:s23], [sflag:$0x2] =	stream.indirect_vreg.gather [hbm4b:s11+s4], $0x80, v3, vm0, $0xb8;
	[tilespmem:$0x18100] =	vst v63  }
0xec: {  	s23 =	simm.s32 $0xA900  }
0xed: {  	[tilespmem:s23], [sflag:$0x2] =	stream.indirect_vreg.gather [hbm4b:s12+s4], $0x80, v3, vm0, $0xb8;
	[tilespmem:$0x18100] =	vst v63  }
0xee: {  	s23 =	simm.s32 $0xB100  }
0xef: {  	[tilespmem:s23], [sflag:$0x2] =	stream.indirect_vreg.gather [hbm4b:s13+s4], $0x80, v3, vm0, $0xb8;
	[tilespmem:$0x18100] =	vst v63  }
0xf0: {  	s23 =	simm.s32 $0xB900  }
0xf1: {  	[tilespmem:s23], [sflag:$0x2] =	stream.indirect_vreg.gather [hbm4b:s14+s4], $0x80, v3, vm0, $0xb8;
	[tilespmem:$0x18100] =	vst v63  }
0xf2: {  	_ =	swait.ge [sflag:s0], $0x6000  }
0xf3: {  	[sflag:s0] =	ssyncset.done $0x0  }
0xf4: {  	s23 =	rddreg [dreg:$0xc];
	[sflag:s0] =	ssyncadd.s32 $0xFFFFA000;
	s0 =	simm.s32 $0x7  }
0xf5: {  	[hbm4b:s23+s4] =	stream.linear.scatter [tilespmem:s30], [sflag:$0x5], $0x6000, $0x38;
	[tilespmem:$0x18100] =	vst v63  }
0xf6: {  	_ =	swait.ge [sflag:s0], $0x6000  }
0xf7: {  	[sflag:s0] =	ssyncset.done $0x0  }
0xf8: {  	[sflag:s0] =	ssyncadd.s32 $0xFFFFA000  }
0xf9: {  	v3 =	vld [tilespmem:$0xA0];
	_ =	sdelay $0x4  }
0xfa: {  	v62 =	vshrl.u32 v3, $0x3  }
0xfb: {  	v4 =	vmul.u32 $0x60, v62  }
0xfc: {  	v3 =	vand.u32 $0x7, v3  }
0xfd: {  	v3 =	vor.u32 v3, v4  }
0xfe: {  	v4 =	vperm.xlane v3, v0;
	_ =	sdelay $0x1  }
0xff: {  	v4 =	vadd.s32 v1, v4;
	_ =	sdelay $0x4  }
0x100: {  	[tilespmem:s18], [sflag:$0x3] =	stream.indirect_vreg.gather [hbm4b:s2+s4], $0x80, v4, vm0, $0xb8;
	[tilespmem:$0x18100] =	vst v63  }
0x101: {  	s23 =	simm.s32 $0xC900  }
0x102: {  	[tilespmem:s23], [sflag:$0x3] =	stream.indirect_vreg.gather [hbm4b:s10+s4], $0x80, v4, vm0, $0xb8;
	[tilespmem:$0x18100] =	vst v63  }
0x103: {  	s23 =	simm.s32 $0xD100  }
0x104: {  	[tilespmem:s23], [sflag:$0x3] =	stream.indirect_vreg.gather [hbm4b:s11+s4], $0x80, v4, vm0, $0xb8;
	[tilespmem:$0x18100] =	vst v63  }
0x105: {  	v3 =	vperm.xlane v3, v2;
	s23 =	simm.s32 $0xD900  }
0x106: {  	[tilespmem:s23], [sflag:$0x3] =	stream.indirect_vreg.gather [hbm4b:s12+s4], $0x80, v4, vm0, $0xb8;
	[tilespmem:$0x18100] =	vst v63  }
0x107: {  	v3 =	vadd.s32 v1, v3;
	s23 =	simm.s32 $0xE100  }
0x108: {  	[tilespmem:s23], [sflag:$0x3] =	stream.indirect_vreg.gather [hbm4b:s13+s4], $0x80, v4, vm0, $0xb8;
	[tilespmem:$0x18100] =	vst v63  }
0x109: {  	s23 =	simm.s32 $0xE900  }
0x10a: {  	[tilespmem:s23], [sflag:$0x3] =	stream.indirect_vreg.gather [hbm4b:s14+s4], $0x80, v4, vm0, $0xb8;
	[tilespmem:$0x18100] =	vst v63  }
0x10b: {  	s23 =	simm.s32 $0xF100  }
0x10c: {  	[tilespmem:s23], [sflag:$0x3] =	stream.indirect_vreg.gather [hbm4b:s2+s4], $0x80, v3, vm0, $0xb8;
	[tilespmem:$0x18100] =	vst v63  }
0x10d: {  	s23 =	simm.s32 $0xF900  }
0x10e: {  	[tilespmem:s23], [sflag:$0x3] =	stream.indirect_vreg.gather [hbm4b:s10+s4], $0x80, v3, vm0, $0xb8;
	[tilespmem:$0x18100] =	vst v63  }
0x10f: {  	s23 =	simm.s32 $0x10100  }
0x110: {  	[tilespmem:s23], [sflag:$0x3] =	stream.indirect_vreg.gather [hbm4b:s11+s4], $0x80, v3, vm0, $0xb8;
	[tilespmem:$0x18100] =	vst v63  }
0x111: {  	s23 =	simm.s32 $0x10900  }
0x112: {  	[tilespmem:s23], [sflag:$0x3] =	stream.indirect_vreg.gather [hbm4b:s12+s4], $0x80, v3, vm0, $0xb8;
	[tilespmem:$0x18100] =	vst v63  }
0x113: {  	s23 =	simm.s32 $0x11100  }
0x114: {  	[tilespmem:s23], [sflag:$0x3] =	stream.indirect_vreg.gather [hbm4b:s13+s4], $0x80, v3, vm0, $0xb8;
	[tilespmem:$0x18100] =	vst v63  }
0x115: {  	s23 =	simm.s32 $0x11900  }
0x116: {  	[tilespmem:s23], [sflag:$0x3] =	stream.indirect_vreg.gather [hbm4b:s14+s4], $0x80, v3, vm0, $0xb8;
	[tilespmem:$0x18100] =	vst v63  }
0x117: {  	_ =	swait.ge [sflag:s1], $0x6000  }
0x118: {  	[sflag:s1] =	ssyncset.done $0x0  }
0x119: {  	s23 =	rddreg [dreg:$0xd];
	[sflag:s1] =	ssyncadd.s32 $0xFFFFA000;
	s1 =	simm.s32 $0x8  }
0x11a: {  	[hbm4b:s23+s4] =	stream.linear.scatter [tilespmem:s17], [sflag:$0x6], $0x6000, $0x38;
	[tilespmem:$0x18100] =	vst v63  }
0x11b: {  	_ =	swait.ge [sflag:s1], $0x6000  }
0x11c: {  	[sflag:s1] =	ssyncset.done $0x0  }
0x11d: {  	[sflag:s1] =	ssyncadd.s32 $0xFFFFA000  }
0x11e: {  	v3 =	vld [tilespmem:$0xB0];
	_ =	sdelay $0x4  }
0x11f: {  	v63 =	vshrl.u32 v3, $0x3  }
0x120: {  	v4 =	vmul.u32 $0x60, v63  }
0x121: {  	v3 =	vand.u32 $0x7, v3  }
0x122: {  	v3 =	vor.u32 v3, v4  }
0x123: {  	v4 =	vperm.xlane v3, v0;
	_ =	sdelay $0x1  }
0x124: {  	v4 =	vadd.s32 v1, v4;
	_ =	sdelay $0x4  }
0x125: {  	[tilespmem:s16], [sflag:$0x4] =	stream.indirect_vreg.gather [hbm4b:s2+s4], $0x80, v4, vm0, $0xb8;
	[tilespmem:$0x18100] =	vst v63  }
0x126: {  	s22 =	simm.s32 $0x12900  }
0x127: {  	[tilespmem:s22], [sflag:$0x4] =	stream.indirect_vreg.gather [hbm4b:s10+s4], $0x80, v4, vm0, $0xb8;
	[tilespmem:$0x18100] =	vst v63  }
0x128: {  	s23 =	simm.s32 $0x13100  }
0x129: {  	[tilespmem:s23], [sflag:$0x4] =	stream.indirect_vreg.gather [hbm4b:s11+s4], $0x80, v4, vm0, $0xb8;
	[tilespmem:$0x18100] =	vst v63  }
0x12a: {  	v3 =	vperm.xlane v3, v2;
	s22 =	simm.s32 $0x13900  }
0x12b: {  	[tilespmem:s22], [sflag:$0x4] =	stream.indirect_vreg.gather [hbm4b:s12+s4], $0x80, v4, vm0, $0xb8;
	[tilespmem:$0x18100] =	vst v63  }
0x12c: {  	v3 =	vadd.s32 v1, v3;
	s23 =	simm.s32 $0x14100  }
0x12d: {  	[tilespmem:s23], [sflag:$0x4] =	stream.indirect_vreg.gather [hbm4b:s13+s4], $0x80, v4, vm0, $0xb8;
	[tilespmem:$0x18100] =	vst v63  }
0x12e: {  	s22 =	simm.s32 $0x14900  }
0x12f: {  	[tilespmem:s22], [sflag:$0x4] =	stream.indirect_vreg.gather [hbm4b:s14+s4], $0x80, v4, vm0, $0xb8;
	[tilespmem:$0x18100] =	vst v63  }
0x130: {  	s23 =	simm.s32 $0x15100  }
0x131: {  	[tilespmem:s23], [sflag:$0x4] =	stream.indirect_vreg.gather [hbm4b:s2+s4], $0x80, v3, vm0, $0xb8;
	[tilespmem:$0x18100] =	vst v63  }
0x132: {  	s22 =	simm.s32 $0x15900  }
0x133: {  	[tilespmem:s22], [sflag:$0x4] =	stream.indirect_vreg.gather [hbm4b:s10+s4], $0x80, v3, vm0, $0xb8;
	[tilespmem:$0x18100] =	vst v63  }
0x134: {  	s23 =	simm.s32 $0x16100  }
0x135: {  	[tilespmem:s23], [sflag:$0x4] =	stream.indirect_vreg.gather [hbm4b:s11+s4], $0x80, v3, vm0, $0xb8;
	[tilespmem:$0x18100] =	vst v63  }
0x136: {  	s17 =	simm.s32 $0x16900  }
0x137: {  	[tilespmem:s17], [sflag:$0x4] =	stream.indirect_vreg.gather [hbm4b:s12+s4], $0x80, v3, vm0, $0xb8;
	[tilespmem:$0x18100] =	vst v63  }
0x138: {  	s22 =	simm.s32 $0x17100  }
0x139: {  	[tilespmem:s22], [sflag:$0x4] =	stream.indirect_vreg.gather [hbm4b:s13+s4], $0x80, v3, vm0, $0xb8;
	[tilespmem:$0x18100] =	vst v63  }
0x13a: {  	s23 =	simm.s32 $0x17900  }
0x13b: {  	[tilespmem:s23], [sflag:$0x4] =	stream.indirect_vreg.gather [hbm4b:s14+s4], $0x80, v3, vm0, $0xb8;
	[tilespmem:$0x18100] =	vst v63  }
0x13c: {  	_ =	swait.ge [sflag:s3], $0x6000  }
0x13d: {  	[sflag:s3] =	ssyncset.done $0x0  }
0x13e: {  	s17 =	rddreg [dreg:$0xe];
	[sflag:s3] =	ssyncadd.s32 $0xFFFFA000  }
0x13f: {  	[hbm4b:s17+s4] =	stream.linear.scatter [tilespmem:s18], [sflag:$0x7], $0x6000, $0x38;
	[tilespmem:$0x18100] =	vst v63  }
0x140: {  	_ =	swait.ge [sflag:s20], $0x6000  }
0x141: {  	[sflag:s20] =	ssyncset.done $0x0  }
0x142: {  	s23 =	rddreg [dreg:$0xf];
	[sflag:s20] =	ssyncadd.s32 $0xFFFFA000  }
0x143: {  	[hbm4b:s23+s4] =	stream.linear.scatter [tilespmem:s16], [sflag:$0x8], $0x6000, $0x38;
	[tilespmem:$0x18100] =	vst v63  }
0x144: {  	_ =	swait.ge [sflag:s15], $0x6000  }
0x145: {  	[sflag:s15] =	ssyncset.done $0x0  }
0x146: {  	[sflag:s15] =	ssyncadd.s32 $0xFFFFA000  }
0x147: {  	_ =	swait.ge [sflag:s21], $0x6000  }
0x148: {  	[sflag:s21] =	ssyncset.done $0x0  }
0x149: {  	[sflag:s21] =	ssyncadd.s32 $0xFFFFA000  }
0x14a: {  	p0 =	sne.s32 s19, $0x1;
	_ =	swait.ge [sflag:s0], $0x6000  }
.Ltmp0:
0x14b: {  	[sflag:s0] =	ssyncset.done $0x0;
	(pc) =	sbr.rel @p0 .LBB2_1-.Ltmp0, $4  }
0x14c: {  	[sflag:s0] =	ssyncadd.s32 $0xFFFFA000  }
0x14d: {  	_ =	swait.ge [sflag:s1], $0x6000  }
0x14e: {  	[sflag:s1] =	ssyncset.done $0x0  }
0x14f: {  	s19 =	sadd.s32 $0xFFFFFFFF, s19;
	[sflag:s1] =	ssyncadd.s32 $0xFFFFA000  }
0x150: {  	_ =	sfence.sel $0x180000  }
0x151: {  	[bflag:$0x0] =	sbarrier.arrive $0xFFFF  }
0x152: {  	_ =	strace $0x90000047  }
0x153: {  	s0 =	stileid.u32;
	[bflag:$0x2] =	sbarrier.arrive $0xFFFF  }
0x154: {  	p0 =	sne.s32 s0, $0x0;
	s0 =	rddreg [dreg:$0x5]  }
0x155: {  	s0 =	sadd.s32 @!p0 $0x100000, s0  }
0x156: {  	[sflag:s0] =	ssyncadd.tile.s32 @!p0 $0x1;
	_ =	shalt  }
.Lfunc_end2:
_tile_overlayer_lowered:
.L_overlay_start_2:
0x157: {  	(tag) =	ssettag $0x2  }
0x158: {  	s0 =	rddreg [dreg:$0x0];
	s2 =	stileid.u32  }
0x159: {  	s1 =	rddreg [dreg:$0x1];
	p0 =	sne.s32 s2, $0x0  }
0x15a: {  	s3 =	rddreg [dreg:$0x2];
	[bflag:$0x3] =	sbarrier.arrive $0xFFFF;
	s2 =	simm.s32 @!p0 $0x1C09  }
0x15b: {  	[timem:s3], [sflag:s2] =	dma.local @!p0 [hbm:s0], s1  }
0x15c: {  	s0 =	simm.s32 @!p0 $0x9  }
0x15d: {  	_ =	swait.ge @!p0 [sflag:s0], s1  }
0x15e: {  	s1 =	ssub.s32 @!p0 $0x0, s1;
	[sflag:s0] =	ssyncset.done @!p0 $0x0  }
0x15f: {  	[sflag:s0] =	ssyncadd.s32 @!p0 s1  }
0x160: {  	[bflag:$0x3] =	sbarrier.arrive $0xFFFF  }
0x161: {  	_ =	shalt  }

// kernel: kernel.9.cloned.1.call-start
scs
__scs_entry_jumppad:
0x0: {  	(pc) =	sbr.rel $0x88, $3  }
0x1: {  	(tag) =	ssettag $0x0;
	lr =	simm.s32 $0x1  }
0x2: {  	[smem:$0x3F97] =	sst lr;
	_ =	strace $0xD0000000  }
0x3: {  	_ = 	snop  }
0x4: {  	_ = 	snop  }
0x5: {  	_ = 	snop  }
0x6: {  	_ = 	snop  }
0x7: {  	_ = 	snop  }
__scs_overlays_trampoline_lowered:
0x8: {  	[smem:$0x3FA6] =	sst s0  }
0x9: {  	[smem:$0x3FA7] =	sst s1  }
0xa: {  	[smem:$0x3FA8] =	sst s2  }
0xb: {  	[smem:$0x3FA9] =	sst s3  }
0xc: {  	[smem:$0x3FAA] =	sst s4  }
0xd: {  	[smem:$0x3FAB] =	sst s5  }
0xe: {  	[smem:$0x3FAC] =	sst s6  }
0xf: {  	[smem:$0x3FAD] =	sst s7  }
0x10: {  	[smem:$0x3FAE] =	sst s8  }
0x11: {  	[smem:$0x3FAF] =	sst s9;
	s0 =	simm.s32 @!p0 $0x0  }
0x12: {  	s1 =	sld [smem:$0x3F95];
	s0 =	simm.s32 @p0 $0x1  }
0x13: {  	[smem:$0x3FB0] =	sst s0;
	s0 =	simm.s32 @!p1 $0x0  }
0x14: {  	s2 =	sld [smem:$0x3F94];
	s0 =	simm.s32 @p1 $0x1  }
0x15: {  	[smem:$0x3FB1] =	sst s0;
	s0 =	simm.s32 @!p2 $0x0  }
0x16: {  	s3 =	sld [smem:$0x3FDB];
	s0 =	simm.s32 @p2 $0x1  }
0x17: {  	s4 =	simm.s32 $0x1BF5;
	[smem:$0x3FB3] =	sst s0  }
0x18: {  	s0 =	sld [smem:$0x3F96];
	_ =	swait.ge [sflag:s4], $0x0  }
0x19: {  	s7 =	sld [smem:$0x3F97]  }
0x1a: {  	s8 =	sadd.s32 $0xFFFFE003, lr  }
0x1b: {  	s9 =	sadd.s32 $0xFFFFFEF7, lr;
	s5 =	simm.s32 $0xFFFFFFFF;
	p2 =	slt.u32 s8, $0xFFFFF086  }
0x1c: {  	p1 =	slt.u32 s9, $0xF7A;
	s5 =	simm.s32 @!p2 $0x0  }
0x1d: {  	s5 =	simm.s32 @p1 $0x1;
	p0 =	seq.s32 s7, s2  }
0x1e: {  	s7 =	smul.u32 @!p0 $0xF7A, s2;
	p2 =	seq.s32 @!p0 s5, $0x0  }
0x1f: {  	s9 =	smul.u32 $0xF7A, s1;
	s8 =	simm.s32 @!p0 $0x1BF5;
	p2 =	por !p2, p0  }
0x20: {  	[sflag:s8] =	ssyncset.s32 @!p0 $0xFFFFF086;
	s6 =	sadd.s32 @!p0 s3, s7;
	s7 =	simm.s32 @!p0 $0x108  }
0x21: {  	s3 =	sadd.s32 s3, s9;
	s6 =	sadd.s32 @!p0 $0x88, s6;
	s7 =	simm.s32 @p2 $0x1082  }
0x22: {  	[simem:s7], [sflag:s8] =	dma.local @!p0 [hbm:s6], $0xF7A  }
0x23: {  	s9 =	sor.u32 $0xD0000000, s2;
	s6 =	simm.s32 $0x108;
	_ =	swait.ge @!p0 [sflag:s8], $0x0  }
0x24: {  	s3 =	sadd.s32 $0x88, s3;
	s6 =	simm.s32 @!p1 $0x1082;
	[sflag:s4] =	ssyncset.s32 $0xFFFFF086  }
0x25: {  	[simem:s6], [sflag:s4] =	dma.local [hbm:s3], $0xF7A  }
0x26: {  	[smem:$0x3F97] =	sst s1;
	(tag) =	ssettag s2;
	_ =	strace s9  }
0x27: {  	s1 =	sld [smem:$0x3FA7]  }
0x28: {  	s2 =	sld [smem:$0x3FA8]  }
0x29: {  	s4 =	sld [smem:$0x3FAA]  }
0x2a: {  	p0 =	seq.s32 s5, $0x0;
	s5 =	sld [smem:$0x3FAB]  }
0x2b: {  	s6 =	sld [smem:$0x3FAC]  }
0x2c: {  	s7 =	sld [smem:$0x3FAD]  }
0x2d: {  	s3 =	simm.s32 $0x108;
	s8 =	sld [smem:$0x3FAE]  }
0x2e: {  	s3 =	simm.s32 @!p0 $0x1082;
	s9 =	sld [smem:$0x3FAF]  }
0x2f: {  	lr =	sadd.s32 s0, s3;
	s0 =	sld [smem:$0x3FA6]  }
0x30: {  	s3 =	sld [smem:$0x3FA9]  }
0x31: {  	[smem:$0x3FB2] =	sst s10  }
0x32: {  	s10 =	sld [smem:$0x3FB0];
	_ =	sdelay $0x3  }
0x33: {  	p0 =	seq.s32 s10, $0x1;
	s10 =	sld [smem:$0x3FB2];
	_ =	sdelay $0x3  }
0x34: {  	[smem:$0x3FB2] =	sst s10  }
0x35: {  	s10 =	sld [smem:$0x3FB1];
	_ =	sdelay $0x3  }
0x36: {  	p1 =	seq.s32 s10, $0x1;
	s10 =	sld [smem:$0x3FB2];
	_ =	sdelay $0x3  }
0x37: {  	[smem:$0x3FB2] =	sst s10  }
0x38: {  	s10 =	sld [smem:$0x3FB3]  }
0x39: {  	_ = 	snop;
	(pc) =	sbr.ind lr, $3  }
0x3a: {  	_ = 	snop  }
0x3b: {  	_ = 	snop  }
0x3c: {  	p2 =	seq.s32 s10, $0x1;
	s10 =	sld [smem:$0x3FB2]  }
0x3d: {  	_ =	shalt  }
0x3e: {  	_ =	shalt  }
0x3f: {  	_ =	shalt  }
0x40: {  	_ =	shalt  }
0x41: {  	_ =	shalt  }
0x42: {  	_ =	shalt  }
0x43: {  	_ =	shalt  }
0x44: {  	_ =	shalt  }
0x45: {  	_ =	shalt  }
0x46: {  	_ =	shalt  }
0x47: {  	_ =	shalt  }
0x48: {  	_ =	shalt  }
0x49: {  	_ =	shalt  }
0x4a: {  	_ =	shalt  }
0x4b: {  	_ =	shalt  }
0x4c: {  	_ =	shalt  }
0x4d: {  	_ =	shalt  }
0x4e: {  	_ =	shalt  }
0x4f: {  	_ =	shalt  }
0x50: {  	_ =	shalt  }
0x51: {  	_ =	shalt  }
0x52: {  	_ =	shalt  }
0x53: {  	_ =	shalt  }
0x54: {  	_ =	shalt  }
0x55: {  	_ =	shalt  }
0x56: {  	_ =	shalt  }
0x57: {  	_ =	shalt  }
0x58: {  	_ =	shalt  }
0x59: {  	_ =	shalt  }
0x5a: {  	_ =	shalt  }
0x5b: {  	_ =	shalt  }
0x5c: {  	_ =	shalt  }
0x5d: {  	_ =	shalt  }
0x5e: {  	_ =	shalt  }
0x5f: {  	_ =	shalt  }
0x60: {  	_ =	shalt  }
0x61: {  	_ =	shalt  }
0x62: {  	_ =	shalt  }
0x63: {  	_ =	shalt  }
0x64: {  	_ =	shalt  }
0x65: {  	_ =	shalt  }
0x66: {  	_ =	shalt  }
0x67: {  	_ =	shalt  }
0x68: {  	_ =	shalt  }
0x69: {  	_ =	shalt  }
0x6a: {  	_ =	shalt  }
0x6b: {  	_ =	shalt  }
0x6c: {  	_ =	shalt  }
0x6d: {  	_ =	shalt  }
0x6e: {  	_ =	shalt  }
0x6f: {  	_ =	shalt  }
0x70: {  	_ =	shalt  }
0x71: {  	_ =	shalt  }
0x72: {  	_ =	shalt  }
0x73: {  	_ =	shalt  }
0x74: {  	_ =	shalt  }
0x75: {  	_ =	shalt  }
0x76: {  	_ =	shalt  }
0x77: {  	_ =	shalt  }
0x78: {  	_ =	shalt  }
0x79: {  	_ =	shalt  }
0x7a: {  	_ =	shalt  }
0x7b: {  	_ =	shalt  }
0x7c: {  	_ =	shalt  }
0x7d: {  	_ =	shalt  }
0x7e: {  	_ =	shalt  }
0x7f: {  	_ =	shalt  }
0x80: {  	_ =	shalt  }
0x81: {  	_ =	shalt  }
0x82: {  	_ =	shalt  }
0x83: {  	_ =	shalt  }
0x84: {  	_ =	shalt  }
0x85: {  	_ =	shalt  }
0x86: {  	_ =	shalt  }
0x87: {  	_ =	shalt  }
.Lfunc_end0:
.L_simem_size_0:
called_computation.1_lowered:
.L_overlay_start_0:
0x88: {  	s2 =	sld [smem:$0x3FD9]  }
0x89: {  	s3 =	sld [smem:$0x3FFE];
	_ =	sdelay $0x1  }
0x8a: {  	s1 =	srdreg.scid  }
0x8b: {  	s0 =	sand.u32 $0x1, s1  }
0x8c: {  	s17 =	sshll.u32 s0, $0xA;
	s2 =	sadd.s32 s3, s2  }
0x8d: {  	s2 =	sadd.s32 s2, s17  }
0x8e: {  	[smem:$0x3FBE] =	sst s2  }
0x8f: {  	_ = 	snop  }
0x90: {  	s18 =	sld [smem:$0x3FC9]  }
0x91: {  	s4 =	sld [smem:$0x3FC8]  }
0x92: {  	s5 =	sld [smem:$0x3FC7]  }
0x93: {  	s6 =	sld [smem:$0x3FC6];
	(tm) =	ssettm $0x1  }
0x94: {  	s19 =	sld [smem:$0x3FFB];
	_ =	sdelay $0x3  }
0x95: {  	_ =	strace s19  }
0x96: {  	s2 =	sld [smem:$0x3FFC];
	_ =	sdelay $0x3  }
0x97: {  	_ =	strace s2  }
0x98: {  	s2 =	sld [smem:$0x3FFD];
	_ =	sdelay $0x3  }
0x99: {  	_ =	strace s2  }
0x9a: {  	_ =	strace $0x8FFFFFFF  }
0x9b: {  	s20 =	sld [smem:$0x3FDB];
	_ =	sdelay $0x1  }
0x9c: {  	s7 =	simm.s32 $_scs_section_size  }
0x9d: {  	s8 =	simm.s32 $_size__tile_overlayer_lowered;
	s9 =	simm.s32 $_tile_overlayer_lowered  }
0x9e: {  	s10 =	simm.s32 $0x1BFF;
	s21 =	sshll.u32 s9, $0x1;
	s7 =	sadd.s32 s7, s20  }
0x9f: {  	s22 =	simm.s32 $0x0;
	s8 =	sshll.u32 s8, $0x1;
	s9 =	sadd.s32 s21, s7  }
0xa0: {  	[timem:s22], [sflag:s10] =	dma.local [hbm:s9], s8  }
0xa1: {  	_ =	swait.ge [sflag:s10], s8  }
0xa2: {  	s8 =	ssub.s32 $0x0, s8;
	[sflag:s10] =	ssyncset.done $0x0  }
0xa3: {  	[sflag:s10] =	ssyncadd.s32 s8;
	_ =	sdelay $0x1  }
0xa4: {  	s23 =	simm.s32 $0x1B8B  }
0xa5: {  	_ =	swait.ge [sflag:s23], $0x1  }
0xa6: {  	[sflag:s23] =	ssyncset.done $0x0  }
0xa7: {  	[sflag:s23] =	ssyncadd.s32 $0xFFFFFFFF  }
0xa8: {  	s8 =	sld [smem:$0x0]  }
0xa9: {  	s9 =	sand.u32 $0xFFFFFFFE, s1  }
0xaa: {  	p0 =	sne.s32 s1, s9  }
0xab: {  	s9 =	sshll.u32 @p0 s9, $0xE  }
0xac: {  	s9 =	sadd.s32 @p0 $0x11B8D, s9;
	s10 =	sshll.u32 @p0 s8, $0x11  }
0xad: {  	s9 =	sor.u32 @p0 s10, s9  }
0xae: {  	[sflag:s9] =	ssyncadd.remote.s32 @p0 $0x1;
	_ =	sdelay $0x1  }
0xaf: {  	s9 =	simm.s32 @p0 $0x1B8D  }
0xb0: {  	_ =	swait.eq @p0 [sflag:s9], $0x1  }
0xb1: {  	[sflag:s9] =	ssyncadd.s32 @p0 $0xFFFFFFFF  }
0xb2: {  	s10 =	sshll.u32 @!p0 s1, $0xE  }
0xb3: {  	s10 =	sor.u32 @!p0 $0x4000, s10;
	s9 =	simm.s32 @!p0 $0x1B8D  }
0xb4: {  	s8 =	sshll.u32 @!p0 s8, $0x11;
	s10 =	sadd.s32 @!p0 $0x11B8D, s10;
	_ =	swait.eq @!p0 [sflag:s9], $0x1  }
0xb5: {  	s8 =	sor.u32 @!p0 s8, s10;
	[sflag:s9] =	ssyncadd.s32 @!p0 $0xFFFFFFFF  }
0xb6: {  	s25 =	simm.s32 $0x1B8E;
	s24 =	sld [smem:$0x3FFE];
	[sflag:s8] =	ssyncadd.remote.s32 @!p0 $0x1  }
0xb7: {  	s26 =	simm.s32 $execute0_lowered;
	[smem:$0x3FD2] =	sst s25  }
0xb8: {  	s9 =	sshll.u32 s26, $0x1;
	_ =	strace $0x80000049;
	[dreg:$0x1] =	wrdreg $0xFFFFFFFF  }
0xb9: {  	s28 =	simm.s32 $_size_execute0_lowered;
	s7 =	sadd.s32 s7, s9;
	[dreg:$0x0] =	wrdreg $0x0  }
0xba: {  	s9 =	sshll.u32 s28, $0x1;
	[dreg:$0x2] =	wrdreg s7  }
0xbb: {  	[dreg:$0x3] =	wrdreg s9  }
0xbc: {  	[dreg:$0x4] =	wrdreg $0xC0  }
0xbd: {  	_ =	task [dreg:s22], $0x5FFFF  }
0xbe: {  	[dreg:$0x1] =	wrdreg $0xFFFFFFFF  }
0xbf: {  	[dreg:$0x0] =	wrdreg $0x60  }
0xc0: {  	[dreg:$0x2] =	wrdreg s18  }
0xc1: {  	[dreg:$0x3] =	wrdreg s4  }
0xc2: {  	[dreg:$0x4] =	wrdreg s5  }
0xc3: {  	[dreg:$0x5] =	wrdreg s6  }
0xc4: {  	[dreg:$0x6] =	wrdreg s24  }
0xc5: {  	[dreg:$0x7] =	wrdreg $0xA  }
0xc6: {  	_ =	task.clear_ibuf [dreg:s22], $0x8FFFF;
	_ =	strace $0x90000049  }
0xc7: {  	s29 =	simm.s32 $0xA;
	_ =	strace $0x8000004B  }
0xc8: {  	_ =	swait.ge [sflag:s29], $0x1  }
0xc9: {  	[sflag:s29] =	ssyncadd.s32 $0xFFFFFFFF  }
0xca: {  	_ =	strace $0x9000004B  }
0xcb: {  	_ =	sfence  }
0xcc: {  	s30 =	sld [smem:$0x0];
	_ =	sdelay $0x2  }
0xcd: {  	s31 =	sshll.u32 s1, $0xD;
	s1 =	sshrl.u32 s1, $0x2  }
0xce: {  	s4 =	sand.u32 $0x4000, s31;
	s1 =	sadd.s32 s1, s30  }
0xcf: {  	s0 =	sor.u32 s4, s0;
	s1 =	sshll.u32 s1, $0x11  }
0xd0: {  	s0 =	sor.u32 s1, s0  }
0xd1: {  	s0 =	sadd.s32 $0x8F2B, s0  }
0xd2: {  	[sflag:s0] =	ssyncadd.remote.s32 $0x1  }
0xd3: {  	_ =	sfence.sel $0xFFFF  }
0xd4: {  	[dreg:$0x0] =	wrdreg $0xFFFFFFFF;
	(pc) =	sbr.abs _section_cstart, $3  }
0xd5: {  	[dreg:$0x1] =	wrdreg $0xFFFFFFFF  }
0xd6: {  	_ =	task.clear_ibuf [dreg:s22], $0x2FFFF;
	_ =	strace $0x9FFFFFFF  }
0xd7: {  	(tm) =	ssettm $0x7FFFFFFF  }
tec
execute0_lowered:
.L_overlay_start_1:
0x0: {  	(tag) =	ssettag $0x1  }
0x1: {  	s0 =	rddreg [dreg:$0x0]  }
0x2: {  	s3 =	rddreg [dreg:$0x1]  }
0x3: {  	s1 =	rddreg [dreg:$0x2]  }
0x4: {  	s2 =	rddreg [dreg:$0x3]  }
0x5: {  	s5 =	rddreg [dreg:$0x4]  }
0x6: {  	s6 =	srdreg.scid;
	s4 =	simm.s32 $0x0;
	s7 =	stileid.u32  }
0x7: {  	s26 =	simm.s32 $0x80;
	s30 =	simm.s32 $0x100;
	s31 =	simm.s32 $0x1900  }
0x8: {  	s28 =	simm.s32 $0x2900;
	s29 =	simm.s32 $0x3100;
	s6 =	sand.u32 $0x1, s6  }
0x9: {  	[smem:$0x7FF] =	sst s4;
	s7 =	sshll.u32 s7, $0x4;
	s9 =	sadd.s32 $0xC1E00, s5  }
0xa: {  	s13 =	sadd.s32 $0x121E00, s5;
	s5 =	sadd.s32 $0x100, s1;
	s14 =	sadd.s32 $0x500, s2  }
0xb: {  	s8 =	sshll.u32 s6, $0x3;
	_ =	strace $0x8000004A;
	s6 =	ssub.s32 $0x2, s6  }
0xc: {  	[dreg:$0x10] =	wrdreg s26;
	s26 =	simm.s32 $0x4100;
	s7 =	sor.u32 s8, s7  }
0xd: {  	s17 =	sshrl.u32 s6, $0x1;
	s8 =	sor.u32 $0x100, s7;
	s19 =	smul.u32 $0x600, s7  }
0xe: {  	s15 =	ssub.s32 s6, s17;
	s20 =	smul.u32 $0x3000, s7;
	s0 =	sadd.s32 s0, s8  }
0xf: {  	s6 =	sadd.s32 $0x200, s1;
	s18 =	sadd.s32 s3, s8;
	[dreg:$0x6] =	wrdreg s0  }
0x10: {  	s7 =	sadd.s32 $0x300, s1;
	s8 =	sadd.s32 $0x400, s1;
	[dreg:$0x7] =	wrdreg s18  }
0x11: {  	s21 =	sadd.s32 s9, s19;
	s11 =	sor.u32 $0xC00, s19;
	s0 =	sshrl.u32 s20, $0x3  }
0x12: {  	s3 =	sadd.s32 s13, s19;
	s19 =	smax.u32 s15, $0x1;
	s18 =	simm.s32 $0xC100  }
0x13: {  	s15 =	simm.s32 $0x5;
	[dreg:$0x8] =	wrdreg s21;
	s22 =	sadd.s32 s9, s11  }
0x14: {  	s12 =	sadd.s32 $0x1800, s0;
	s0 =	sadd.s32 $0x2400, s0;
	[dreg:$0xc] =	wrdreg s3  }
0x15: {  	s24 =	sadd.s32 s13, s11;
	s11 =	sadd.s32 $0x200, s2;
	[dreg:$0x9] =	wrdreg s22  }
0x16: {  	s10 =	sadd.s32 s9, s12;
	s23 =	sadd.s32 s9, s0;
	[dreg:$0xd] =	wrdreg s24  }
0x17: {  	s9 =	sadd.s32 $0x500, s1;
	s25 =	sadd.s32 s13, s12;
	[dreg:$0xa] =	wrdreg s10  }
0x18: {  	v2 =	vlaneseq.u32;
	s12 =	sadd.s32 $0x300, s2;
	s0 =	sadd.s32 s13, s0;
	[dreg:$0xb] =	wrdreg s23  }
0x19: {  	vm0 =	vmmov $0xffff;
	v1 =	vshrl.u32 v2, $0x3;
	s13 =	sadd.s32 $0x400, s2;
	s24 =	simm.s32 $0x1100;
	[dreg:$0xe] =	wrdreg s25  }
0x1a: {  	v0 =	vand.u32 $0x7, v2;
	v2 =	vor.u32 $0x8, v2;
	v1 =	vmul.u32 $0x8, v1;
	s10 =	sadd.s32 $0x100, s2;
	[dreg:$0xf] =	wrdreg s0;
	s25 =	simm.s32 $0x4900  }
.LBB2_1:
0x1b: {  	s22 =	rddreg [dreg:$0x6];
	s16 =	simm.s32 $0x9  }
0x1c: {  	[tilespmem:s4], [sflag:$0x9] =	stream.linear.gather [hbm4b:s22+s4], $0x40, $0x38;
	[tilespmem:$0x18100] =	vst v63  }
0x1d: {  	_ =	swait.ge [sflag:s16], $0x40  }
0x1e: {  	s0 =	rddreg [dreg:$0x7];
	[sflag:s16] =	ssyncset.done $0x0  }
0x1f: {  	s23 =	rddreg [dreg:$0x10];
	[sflag:s16] =	ssyncadd.s32 $0xFFFFFFC0  }
0x20: {  	[tilespmem:s23], [sflag:$0x9] =	stream.linear.gather [hbm4b:s0+s4], $0x40, $0x38;
	[tilespmem:$0x18100] =	vst v63  }
0x21: {  	_ =	swait.ge [sflag:s16], $0x40  }
0x22: {  	[sflag:s16] =	ssyncset.done $0x0  }
0x23: {  	[sflag:s16] =	ssyncadd.s32 $0xFFFFFFC0  }
0x24: {  	v3 =	vld [tilespmem:$0x0];
	_ =	sdelay $0x4  }
0x25: {  	v4 =	vshrl.u32 v3, $0x3  }
0x26: {  	v4 =	vmul.u32 $0x60, v4  }
0x27: {  	v3 =	vand.u32 $0x7, v3  }
0x28: {  	v3 =	vor.u32 v3, v4  }
0x29: {  	v4 =	vperm.xlane v3, v0;
	_ =	sdelay $0x1  }
0x2a: {  	v4 =	vadd.s32 v1, v4;
	_ =	sdelay $0x3  }
0x2b: {  	s2 =	rddreg [dreg:$0x2]  }
0x2c: {  	[tilespmem:s30], [sflag:$0x1] =	stream.indirect_vreg.gather [hbm4b:s2+s4], $0x80, v4, vm0, $0xb8;
	[tilespmem:$0x18100] =	vst v63  }
0x2d: {  	s23 =	simm.s32 $0x900  }
0x2e: {  	[tilespmem:s23], [sflag:$0x1] =	stream.indirect_vreg.gather [hbm4b:s5+s4], $0x80, v4, vm0, $0xb8;
	[tilespmem:$0x18100] =	vst v63  }
0x2f: {  	_ = 	snop  }
0x30: {  	[tilespmem:s24], [sflag:$0x1] =	stream.indirect_vreg.gather [hbm4b:s6+s4], $0x80, v4, vm0, $0xb8;
	[tilespmem:$0x18100] =	vst v63  }
0x31: {  	v3 =	vperm.xlane v3, v2  }
0x32: {  	[tilespmem:s31], [sflag:$0x1] =	stream.indirect_vreg.gather [hbm4b:s7+s4], $0x80, v4, vm0, $0xb8;
	[tilespmem:$0x18100] =	vst v63  }
0x33: {  	s21 =	simm.s32 $0x2100;
	v3 =	vadd.s32 v1, v3  }
0x34: {  	[tilespmem:s21], [sflag:$0x1] =	stream.indirect_vreg.gather [hbm4b:s8+s4], $0x80, v4, vm0, $0xb8;
	[tilespmem:$0x18100] =	vst v63  }
0x35: {  	_ = 	snop  }
0x36: {  	[tilespmem:s28], [sflag:$0x1] =	stream.indirect_vreg.gather [hbm4b:s9+s4], $0x80, v4, vm0, $0xb8;
	[tilespmem:$0x18100] =	vst v63  }
0x37: {  	_ = 	snop  }
0x38: {  	[tilespmem:s29], [sflag:$0x1] =	stream.indirect_vreg.gather [hbm4b:s2+s4], $0x80, v3, vm0, $0xb8;
	[tilespmem:$0x18100] =	vst v63  }
0x39: {  	s20 =	simm.s32 $0x3900  }
0x3a: {  	[tilespmem:s20], [sflag:$0x1] =	stream.indirect_vreg.gather [hbm4b:s5+s4], $0x80, v3, vm0, $0xb8;
	[tilespmem:$0x18100] =	vst v63  }
0x3b: {  	_ = 	snop  }
0x3c: {  	[tilespmem:s26], [sflag:$0x1] =	stream.indirect_vreg.gather [hbm4b:s6+s4], $0x80, v3, vm0, $0xb8;
	[tilespmem:$0x18100] =	vst v63  }
0x3d: {  	_ = 	snop  }
0x3e: {  	[tilespmem:s25], [sflag:$0x1] =	stream.indirect_vreg.gather [hbm4b:s7+s4], $0x80, v3, vm0, $0xb8;
	[tilespmem:$0x18100] =	vst v63  }
0x3f: {  	s0 =	simm.s32 $0x5100  }
0x40: {  	[tilespmem:s0], [sflag:$0x1] =	stream.indirect_vreg.gather [hbm4b:s8+s4], $0x80, v3, vm0, $0xb8;
	[tilespmem:$0x18100] =	vst v63  }
0x41: {  	s1 =	simm.s32 $0x5900  }
0x42: {  	[tilespmem:s1], [sflag:$0x1] =	stream.indirect_vreg.gather [hbm4b:s9+s4], $0x80, v3, vm0, $0xb8;
	[tilespmem:$0x18100] =	vst v63  }
0x43: {  	v3 =	vld [tilespmem:$0x10];
	_ =	sdelay $0x4  }
0x44: {  	v57 =	vshrl.u32 v3, $0x3  }
0x45: {  	v4 =	vmul.u32 $0x60, v57  }
0x46: {  	v3 =	vand.u32 $0x7, v3  }
0x47: {  	v3 =	vor.u32 v3, v4  }
0x48: {  	v4 =	vperm.xlane v3, v0;
	_ =	sdelay $0x1  }
0x49: {  	v4 =	vadd.s32 v1, v4;
	_ =	sdelay $0x3  }
0x4a: {  	s17 =	simm.s32 $0x6100  }
0x4b: {  	[tilespmem:s17], [sflag:$0x2] =	stream.indirect_vreg.gather [hbm4b:s2+s4], $0x80, v4, vm0, $0xb8;
	[tilespmem:$0x18100] =	vst v63  }
0x4c: {  	s3 =	simm.s32 $0x6900  }
0x4d: {  	[tilespmem:s3], [sflag:$0x2] =	stream.indirect_vreg.gather [hbm4b:s5+s4], $0x80, v4, vm0, $0xb8;
	[tilespmem:$0x18100] =	vst v63  }
0x4e: {  	s16 =	simm.s32 $0x7100  }
0x4f: {  	[tilespmem:s16], [sflag:$0x2] =	stream.indirect_vreg.gather [hbm4b:s6+s4], $0x80, v4, vm0, $0xb8;
	[tilespmem:$0x18100] =	vst v63  }
0x50: {  	s22 =	simm.s32 $0x7900;
	v3 =	vperm.xlane v3, v2  }
0x51: {  	[tilespmem:s22], [sflag:$0x2] =	stream.indirect_vreg.gather [hbm4b:s7+s4], $0x80, v4, vm0, $0xb8;
	[tilespmem:$0x18100] =	vst v63  }
0x52: {  	s1 =	simm.s32 $0x8100;
	v3 =	vadd.s32 v1, v3  }
0x53: {  	[tilespmem:s1], [sflag:$0x2] =	stream.indirect_vreg.gather [hbm4b:s8+s4], $0x80, v4, vm0, $0xb8;
	[tilespmem:$0x18100] =	vst v63  }
0x54: {  	s3 =	simm.s32 $0x8900  }
0x55: {  	[tilespmem:s3], [sflag:$0x2] =	stream.indirect_vreg.gather [hbm4b:s9+s4], $0x80, v4, vm0, $0xb8;
	[tilespmem:$0x18100] =	vst v63  }
0x56: {  	s16 =	simm.s32 $0x9100  }
0x57: {  	[tilespmem:s16], [sflag:$0x2] =	stream.indirect_vreg.gather [hbm4b:s2+s4], $0x80, v3, vm0, $0xb8;
	[tilespmem:$0x18100] =	vst v63  }
0x58: {  	s22 =	simm.s32 $0x9900  }
0x59: {  	[tilespmem:s22], [sflag:$0x2] =	stream.indirect_vreg.gather [hbm4b:s5+s4], $0x80, v3, vm0, $0xb8;
	[tilespmem:$0x18100] =	vst v63  }
0x5a: {  	s1 =	simm.s32 $0xA100  }
0x5b: {  	[tilespmem:s1], [sflag:$0x2] =	stream.indirect_vreg.gather [hbm4b:s6+s4], $0x80, v3, vm0, $0xb8;
	[tilespmem:$0x18100] =	vst v63  }
0x5c: {  	s3 =	simm.s32 $0xA900  }
0x5d: {  	[tilespmem:s3], [sflag:$0x2] =	stream.indirect_vreg.gather [hbm4b:s7+s4], $0x80, v3, vm0, $0xb8;
	[tilespmem:$0x18100] =	vst v63  }
0x5e: {  	s16 =	simm.s32 $0xB100  }
0x5f: {  	[tilespmem:s16], [sflag:$0x2] =	stream.indirect_vreg.gather [hbm4b:s8+s4], $0x80, v3, vm0, $0xb8;
	[tilespmem:$0x18100] =	vst v63  }
0x60: {  	s0 =	simm.s32 $0x1;
	s22 =	simm.s32 $0xB900  }
0x61: {  	[tilespmem:s22], [sflag:$0x2] =	stream.indirect_vreg.gather [hbm4b:s9+s4], $0x80, v3, vm0, $0xb8;
	[tilespmem:$0x18100] =	vst v63  }
0x62: {  	_ =	swait.ge [sflag:s0], $0x6000  }
0x63: {  	[sflag:s0] =	ssyncset.done $0x0  }
0x64: {  	s1 =	rddreg [dreg:$0x8];
	[sflag:s0] =	ssyncadd.s32 $0xFFFFA000  }
0x65: {  	[hbm4b:s1+s4] =	stream.linear.scatter [tilespmem:s30], [sflag:$0x5], $0x6000, $0x38;
	[tilespmem:$0x18100] =	vst v63  }
0x66: {  	v3 =	vld [tilespmem:$0x20];
	_ =	sdelay $0x4  }
0x67: {  	v58 =	vshrl.u32 v3, $0x3  }
0x68: {  	v4 =	vmul.u32 $0x60, v58  }
0x69: {  	v3 =	vand.u32 $0x7, v3  }
0x6a: {  	v3 =	vor.u32 v3, v4  }
0x6b: {  	v4 =	vperm.xlane v3, v0;
	_ =	sdelay $0x1  }
0x6c: {  	v4 =	vadd.s32 v1, v4;
	_ =	sdelay $0x4  }
0x6d: {  	[tilespmem:s18], [sflag:$0x3] =	stream.indirect_vreg.gather [hbm4b:s2+s4], $0x80, v4, vm0, $0xb8;
	[tilespmem:$0x18100] =	vst v63  }
0x6e: {  	s1 =	simm.s32 $0xC900  }
0x6f: {  	[tilespmem:s1], [sflag:$0x3] =	stream.indirect_vreg.gather [hbm4b:s5+s4], $0x80, v4, vm0, $0xb8;
	[tilespmem:$0x18100] =	vst v63  }
0x70: {  	s3 =	simm.s32 $0xD100  }
0x71: {  	[tilespmem:s3], [sflag:$0x3] =	stream.indirect_vreg.gather [hbm4b:s6+s4], $0x80, v4, vm0, $0xb8;
	[tilespmem:$0x18100] =	vst v63  }
0x72: {  	s16 =	simm.s32 $0xD900;
	v3 =	vperm.xlane v3, v2  }
0x73: {  	[tilespmem:s16], [sflag:$0x3] =	stream.indirect_vreg.gather [hbm4b:s7+s4], $0x80, v4, vm0, $0xb8;
	[tilespmem:$0x18100] =	vst v63  }
0x74: {  	s22 =	simm.s32 $0xE100;
	v3 =	vadd.s32 v1, v3  }
0x75: {  	[tilespmem:s22], [sflag:$0x3] =	stream.indirect_vreg.gather [hbm4b:s8+s4], $0x80, v4, vm0, $0xb8;
	[tilespmem:$0x18100] =	vst v63  }
0x76: {  	s3 =	simm.s32 $0xE900  }
0x77: {  	[tilespmem:s3], [sflag:$0x3] =	stream.indirect_vreg.gather [hbm4b:s9+s4], $0x80, v4, vm0, $0xb8;
	[tilespmem:$0x18100] =	vst v63  }
0x78: {  	s16 =	simm.s32 $0xF100  }
0x79: {  	[tilespmem:s16], [sflag:$0x3] =	stream.indirect_vreg.gather [hbm4b:s2+s4], $0x80, v3, vm0, $0xb8;
	[tilespmem:$0x18100] =	vst v63  }
0x7a: {  	s22 =	simm.s32 $0xF900  }
0x7b: {  	[tilespmem:s22], [sflag:$0x3] =	stream.indirect_vreg.gather [hbm4b:s5+s4], $0x80, v3, vm0, $0xb8;
	[tilespmem:$0x18100] =	vst v63  }
0x7c: {  	s3 =	simm.s32 $0x10100  }
0x7d: {  	[tilespmem:s3], [sflag:$0x3] =	stream.indirect_vreg.gather [hbm4b:s6+s4], $0x80, v3, vm0, $0xb8;
	[tilespmem:$0x18100] =	vst v63  }
0x7e: {  	s16 =	simm.s32 $0x10900  }
0x7f: {  	[tilespmem:s16], [sflag:$0x3] =	stream.indirect_vreg.gather [hbm4b:s7+s4], $0x80, v3, vm0, $0xb8;
	[tilespmem:$0x18100] =	vst v63  }
0x80: {  	s22 =	simm.s32 $0x11100  }
0x81: {  	[tilespmem:s22], [sflag:$0x3] =	stream.indirect_vreg.gather [hbm4b:s8+s4], $0x80, v3, vm0, $0xb8;
	[tilespmem:$0x18100] =	vst v63  }
0x82: {  	s1 =	simm.s32 $0x2;
	s3 =	simm.s32 $0x11900  }
0x83: {  	[tilespmem:s3], [sflag:$0x3] =	stream.indirect_vreg.gather [hbm4b:s9+s4], $0x80, v3, vm0, $0xb8;
	[tilespmem:$0x18100] =	vst v63  }
0x84: {  	_ =	swait.ge [sflag:s1], $0x6000  }
0x85: {  	[sflag:s1] =	ssyncset.done $0x0  }
0x86: {  	s16 =	rddreg [dreg:$0x9];
	[sflag:s1] =	ssyncadd.s32 $0xFFFFA000  }
0x87: {  	[hbm4b:s16+s4] =	stream.linear.scatter [tilespmem:s17], [sflag:$0x6], $0x6000, $0x38;
	[tilespmem:$0x18100] =	vst v63  }
0x88: {  	v3 =	vld [tilespmem:$0x30];
	_ =	sdelay $0x4  }
0x89: {  	v59 =	vshrl.u32 v3, $0x3  }
0x8a: {  	v4 =	vmul.u32 $0x60, v59  }
0x8b: {  	v3 =	vand.u32 $0x7, v3  }
0x8c: {  	v3 =	vor.u32 v3, v4  }
0x8d: {  	v4 =	vperm.xlane v3, v0;
	_ =	sdelay $0x1  }
0x8e: {  	v4 =	vadd.s32 v1, v4;
	_ =	sdelay $0x3  }
0x8f: {  	s16 =	simm.s32 $0x12100  }
0x90: {  	[tilespmem:s16], [sflag:$0x4] =	stream.indirect_vreg.gather [hbm4b:s2+s4], $0x80, v4, vm0, $0xb8;
	[tilespmem:$0x18100] =	vst v63  }
0x91: {  	s3 =	simm.s32 $0x12900  }
0x92: {  	[tilespmem:s3], [sflag:$0x4] =	stream.indirect_vreg.gather [hbm4b:s5+s4], $0x80, v4, vm0, $0xb8;
	[tilespmem:$0x18100] =	vst v63  }
0x93: {  	s22 =	simm.s32 $0x13100  }
0x94: {  	[tilespmem:s22], [sflag:$0x4] =	stream.indirect_vreg.gather [hbm4b:s6+s4], $0x80, v4, vm0, $0xb8;
	[tilespmem:$0x18100] =	vst v63  }
0x95: {  	v3 =	vperm.xlane v3, v2;
	s22 =	simm.s32 $0x13900  }
0x96: {  	[tilespmem:s22], [sflag:$0x4] =	stream.indirect_vreg.gather [hbm4b:s7+s4], $0x80, v4, vm0, $0xb8;
	[tilespmem:$0x18100] =	vst v63  }
0x97: {  	v3 =	vadd.s32 v1, v3;
	s22 =	simm.s32 $0x14100  }
0x98: {  	[tilespmem:s22], [sflag:$0x4] =	stream.indirect_vreg.gather [hbm4b:s8+s4], $0x80, v4, vm0, $0xb8;
	[tilespmem:$0x18100] =	vst v63  }
0x99: {  	s22 =	simm.s32 $0x14900  }
0x9a: {  	[tilespmem:s22], [sflag:$0x4] =	stream.indirect_vreg.gather [hbm4b:s9+s4], $0x80, v4, vm0, $0xb8;
	[tilespmem:$0x18100] =	vst v63  }
0x9b: {  	s22 =	simm.s32 $0x15100  }
0x9c: {  	[tilespmem:s22], [sflag:$0x4] =	stream.indirect_vreg.gather [hbm4b:s2+s4], $0x80, v3, vm0, $0xb8;
	[tilespmem:$0x18100] =	vst v63  }
0x9d: {  	s22 =	simm.s32 $0x15900  }
0x9e: {  	[tilespmem:s22], [sflag:$0x4] =	stream.indirect_vreg.gather [hbm4b:s5+s4], $0x80, v3, vm0, $0xb8;
	[tilespmem:$0x18100] =	vst v63  }
0x9f: {  	s3 =	simm.s32 $0x16100  }
0xa0: {  	[tilespmem:s3], [sflag:$0x4] =	stream.indirect_vreg.gather [hbm4b:s6+s4], $0x80, v3, vm0, $0xb8;
	[tilespmem:$0x18100] =	vst v63  }
0xa1: {  	s22 =	simm.s32 $0x16900  }
0xa2: {  	[tilespmem:s22], [sflag:$0x4] =	stream.indirect_vreg.gather [hbm4b:s7+s4], $0x80, v3, vm0, $0xb8;
	[tilespmem:$0x18100] =	vst v63  }
0xa3: {  	s3 =	simm.s32 $0x17100  }
0xa4: {  	[tilespmem:s3], [sflag:$0x4] =	stream.indirect_vreg.gather [hbm4b:s8+s4], $0x80, v3, vm0, $0xb8;
	[tilespmem:$0x18100] =	vst v63  }
0xa5: {  	s22 =	simm.s32 $0x17900;
	s3 =	simm.s32 $0x3  }
0xa6: {  	[tilespmem:s22], [sflag:$0x4] =	stream.indirect_vreg.gather [hbm4b:s9+s4], $0x80, v3, vm0, $0xb8;
	[tilespmem:$0x18100] =	vst v63  }
0xa7: {  	_ =	swait.ge [sflag:s3], $0x6000  }
0xa8: {  	[sflag:s3] =	ssyncset.done $0x0  }
0xa9: {  	s2 =	rddreg [dreg:$0xa];
	[sflag:s3] =	ssyncadd.s32 $0xFFFFA000  }
0xaa: {  	[hbm4b:s2+s4] =	stream.linear.scatter [tilespmem:s18], [sflag:$0x7], $0x6000, $0x38;
	[tilespmem:$0x18100] =	vst v63  }
0xab: {  	_ =	swait.ge [sflag:s15], $0x6000  }
0xac: {  	[sflag:s15] =	ssyncset.done $0x0  }
0xad: {  	[sflag:s15] =	ssyncadd.s32 $0xFFFFA000  }
0xae: {  	v3 =	vld [tilespmem:$0x80];
	_ =	sdelay $0x4  }
0xaf: {  	v60 =	vshrl.u32 v3, $0x3  }
0xb0: {  	v4 =	vmul.u32 $0x60, v60  }
0xb1: {  	v3 =	vand.u32 $0x7, v3  }
0xb2: {  	v3 =	vor.u32 v3, v4  }
0xb3: {  	v4 =	vperm.xlane v3, v0;
	_ =	sdelay $0x1  }
0xb4: {  	v4 =	vadd.s32 v1, v4;
	_ =	sdelay $0x3  }
0xb5: {  	s2 =	rddreg [dreg:$0x3]  }
0xb6: {  	[tilespmem:s30], [sflag:$0x1] =	stream.indirect_vreg.gather [hbm4b:s2+s4], $0x80, v4, vm0, $0xb8;
	[tilespmem:$0x18100] =	vst v63  }
0xb7: {  	_ = 	snop  }
0xb8: {  	[tilespmem:s23], [sflag:$0x1] =	stream.indirect_vreg.gather [hbm4b:s10+s4], $0x80, v4, vm0, $0xb8;
	[tilespmem:$0x18100] =	vst v63  }
0xb9: {  	_ = 	snop  }
0xba: {  	[tilespmem:s24], [sflag:$0x1] =	stream.indirect_vreg.gather [hbm4b:s11+s4], $0x80, v4, vm0, $0xb8;
	[tilespmem:$0x18100] =	vst v63  }
0xbb: {  	v3 =	vperm.xlane v3, v2  }
0xbc: {  	[tilespmem:s31], [sflag:$0x1] =	stream.indirect_vreg.gather [hbm4b:s12+s4], $0x80, v4, vm0, $0xb8;
	[tilespmem:$0x18100] =	vst v63  }
0xbd: {  	v3 =	vadd.s32 v1, v3  }
0xbe: {  	[tilespmem:s21], [sflag:$0x1] =	stream.indirect_vreg.gather [hbm4b:s13+s4], $0x80, v4, vm0, $0xb8;
	[tilespmem:$0x18100] =	vst v63  }
0xbf: {  	_ = 	snop  }
0xc0: {  	[tilespmem:s28], [sflag:$0x1] =	stream.indirect_vreg.gather [hbm4b:s14+s4], $0x80, v4, vm0, $0xb8;
	[tilespmem:$0x18100] =	vst v63  }
0xc1: {  	_ = 	snop  }
0xc2: {  	[tilespmem:s29], [sflag:$0x1] =	stream.indirect_vreg.gather [hbm4b:s2+s4], $0x80, v3, vm0, $0xb8;
	[tilespmem:$0x18100] =	vst v63  }
0xc3: {  	_ = 	snop  }
0xc4: {  	[tilespmem:s20], [sflag:$0x1] =	stream.indirect_vreg.gather [hbm4b:s10+s4], $0x80, v3, vm0, $0xb8;
	[tilespmem:$0x18100] =	vst v63  }
0xc5: {  	_ = 	snop  }
0xc6: {  	[tilespmem:s26], [sflag:$0x1] =	stream.indirect_vreg.gather [hbm4b:s11+s4], $0x80, v3, vm0, $0xb8;
	[tilespmem:$0x18100] =	vst v63  }
0xc7: {  	_ = 	snop  }
0xc8: {  	[tilespmem:s25], [sflag:$0x1] =	stream.indirect_vreg.gather [hbm4b:s12+s4], $0x80, v3, vm0, $0xb8;
	[tilespmem:$0x18100] =	vst v63  }
0xc9: {  	s22 =	simm.s32 $0x5100  }
0xca: {  	[tilespmem:s22], [sflag:$0x1] =	stream.indirect_vreg.gather [hbm4b:s13+s4], $0x80, v3, vm0, $0xb8;
	[tilespmem:$0x18100] =	vst v63  }
0xcb: {  	s23 =	simm.s32 $0x5900;
	s20 =	simm.s32 $0x4  }
0xcc: {  	[tilespmem:s23], [sflag:$0x1] =	stream.indirect_vreg.gather [hbm4b:s14+s4], $0x80, v3, vm0, $0xb8;
	[tilespmem:$0x18100] =	vst v63  }
0xcd: {  	_ =	swait.ge [sflag:s20], $0x6000  }
0xce: {  	[sflag:s20] =	ssyncset.done $0x0  }
0xcf: {  	s21 =	rddreg [dreg:$0xb];
	[sflag:s20] =	ssyncadd.s32 $0xFFFFA000  }
0xd0: {  	[hbm4b:s21+s4] =	stream.linear.scatter [tilespmem:s16], [sflag:$0x8], $0x6000, $0x38;
	[tilespmem:$0x18100] =	vst v63  }
0xd1: {  	s21 =	simm.s32 $0x6  }
0xd2: {  	_ =	swait.ge [sflag:s21], $0x6000  }
0xd3: {  	[sflag:s21] =	ssyncset.done $0x0  }
0xd4: {  	[sflag:s21] =	ssyncadd.s32 $0xFFFFA000  }
0xd5: {  	v3 =	vld [tilespmem:$0x90];
	_ =	sdelay $0x4  }
0xd6: {  	v61 =	vshrl.u32 v3, $0x3  }
0xd7: {  	v4 =	vmul.u32 $0x60, v61  }
0xd8: {  	v3 =	vand.u32 $0x7, v3  }
0xd9: {  	v3 =	vor.u32 v3, v4  }
0xda: {  	v4 =	vperm.xlane v3, v0;
	_ =	sdelay $0x1  }
0xdb: {  	v4 =	vadd.s32 v1, v4;
	_ =	sdelay $0x4  }
0xdc: {  	[tilespmem:s17], [sflag:$0x2] =	stream.indirect_vreg.gather [hbm4b:s2+s4], $0x80, v4, vm0, $0xb8;
	[tilespmem:$0x18100] =	vst v63  }
0xdd: {  	s23 =	simm.s32 $0x6900  }
0xde: {  	[tilespmem:s23], [sflag:$0x2] =	stream.indirect_vreg.gather [hbm4b:s10+s4], $0x80, v4, vm0, $0xb8;
	[tilespmem:$0x18100] =	vst v63  }
0xdf: {  	s23 =	simm.s32 $0x7100  }
0xe0: {  	[tilespmem:s23], [sflag:$0x2] =	stream.indirect_vreg.gather [hbm4b:s11+s4], $0x80, v4, vm0, $0xb8;
	[tilespmem:$0x18100] =	vst v63  }
0xe1: {  	v3 =	vperm.xlane v3, v2;
	s23 =	simm.s32 $0x7900  }
0xe2: {  	[tilespmem:s23], [sflag:$0x2] =	stream.indirect_vreg.gather [hbm4b:s12+s4], $0x80, v4, vm0, $0xb8;
	[tilespmem:$0x18100] =	vst v63  }
0xe3: {  	v3 =	vadd.s32 v1, v3;
	s23 =	simm.s32 $0x8100  }
0xe4: {  	[tilespmem:s23], [sflag:$0x2] =	stream.indirect_vreg.gather [hbm4b:s13+s4], $0x80, v4, vm0, $0xb8;
	[tilespmem:$0x18100] =	vst v63  }
0xe5: {  	s23 =	simm.s32 $0x8900  }
0xe6: {  	[tilespmem:s23], [sflag:$0x2] =	stream.indirect_vreg.gather [hbm4b:s14+s4], $0x80, v4, vm0, $0xb8;
	[tilespmem:$0x18100] =	vst v63  }
0xe7: {  	s23 =	simm.s32 $0x9100  }
0xe8: {  	[tilespmem:s23], [sflag:$0x2] =	stream.indirect_vreg.gather [hbm4b:s2+s4], $0x80, v3, vm0, $0xb8;
	[tilespmem:$0x18100] =	vst v63  }
0xe9: {  	s23 =	simm.s32 $0x9900  }
0xea: {  	[tilespmem:s23], [sflag:$0x2] =	stream.indirect_vreg.gather [hbm4b:s10+s4], $0x80, v3, vm0, $0xb8;
	[tilespmem:$0x18100] =	vst v63  }
0xeb: {  	s23 =	simm.s32 $0xA100  }
0xec: {  	[tilespmem:s23], [sflag:$0x2] =	stream.indirect_vreg.gather [hbm4b:s11+s4], $0x80, v3, vm0, $0xb8;
	[tilespmem:$0x18100] =	vst v63  }
0xed: {  	s23 =	simm.s32 $0xA900  }
0xee: {  	[tilespmem:s23], [sflag:$0x2] =	stream.indirect_vreg.gather [hbm4b:s12+s4], $0x80, v3, vm0, $0xb8;
	[tilespmem:$0x18100] =	vst v63  }
0xef: {  	s23 =	simm.s32 $0xB100  }
0xf0: {  	[tilespmem:s23], [sflag:$0x2] =	stream.indirect_vreg.gather [hbm4b:s13+s4], $0x80, v3, vm0, $0xb8;
	[tilespmem:$0x18100] =	vst v63  }
0xf1: {  	s23 =	simm.s32 $0xB900  }
0xf2: {  	[tilespmem:s23], [sflag:$0x2] =	stream.indirect_vreg.gather [hbm4b:s14+s4], $0x80, v3, vm0, $0xb8;
	[tilespmem:$0x18100] =	vst v63  }
0xf3: {  	_ =	swait.ge [sflag:s0], $0x6000  }
0xf4: {  	[sflag:s0] =	ssyncset.done $0x0  }
0xf5: {  	s23 =	rddreg [dreg:$0xc];
	[sflag:s0] =	ssyncadd.s32 $0xFFFFA000;
	s0 =	simm.s32 $0x7  }
0xf6: {  	[hbm4b:s23+s4] =	stream.linear.scatter [tilespmem:s30], [sflag:$0x5], $0x6000, $0x38;
	[tilespmem:$0x18100] =	vst v63  }
0xf7: {  	_ =	swait.ge [sflag:s0], $0x6000  }
0xf8: {  	[sflag:s0] =	ssyncset.done $0x0  }
0xf9: {  	[sflag:s0] =	ssyncadd.s32 $0xFFFFA000  }
0xfa: {  	v3 =	vld [tilespmem:$0xA0];
	_ =	sdelay $0x4  }
0xfb: {  	v62 =	vshrl.u32 v3, $0x3  }
0xfc: {  	v4 =	vmul.u32 $0x60, v62  }
0xfd: {  	v3 =	vand.u32 $0x7, v3  }
0xfe: {  	v3 =	vor.u32 v3, v4  }
0xff: {  	v4 =	vperm.xlane v3, v0;
	_ =	sdelay $0x1  }
0x100: {  	v4 =	vadd.s32 v1, v4;
	_ =	sdelay $0x4  }
0x101: {  	[tilespmem:s18], [sflag:$0x3] =	stream.indirect_vreg.gather [hbm4b:s2+s4], $0x80, v4, vm0, $0xb8;
	[tilespmem:$0x18100] =	vst v63  }
0x102: {  	s23 =	simm.s32 $0xC900  }
0x103: {  	[tilespmem:s23], [sflag:$0x3] =	stream.indirect_vreg.gather [hbm4b:s10+s4], $0x80, v4, vm0, $0xb8;
	[tilespmem:$0x18100] =	vst v63  }
0x104: {  	s23 =	simm.s32 $0xD100  }
0x105: {  	[tilespmem:s23], [sflag:$0x3] =	stream.indirect_vreg.gather [hbm4b:s11+s4], $0x80, v4, vm0, $0xb8;
	[tilespmem:$0x18100] =	vst v63  }
0x106: {  	v3 =	vperm.xlane v3, v2;
	s23 =	simm.s32 $0xD900  }
0x107: {  	[tilespmem:s23], [sflag:$0x3] =	stream.indirect_vreg.gather [hbm4b:s12+s4], $0x80, v4, vm0, $0xb8;
	[tilespmem:$0x18100] =	vst v63  }
0x108: {  	v3 =	vadd.s32 v1, v3;
	s23 =	simm.s32 $0xE100  }
0x109: {  	[tilespmem:s23], [sflag:$0x3] =	stream.indirect_vreg.gather [hbm4b:s13+s4], $0x80, v4, vm0, $0xb8;
	[tilespmem:$0x18100] =	vst v63  }
0x10a: {  	s23 =	simm.s32 $0xE900  }
0x10b: {  	[tilespmem:s23], [sflag:$0x3] =	stream.indirect_vreg.gather [hbm4b:s14+s4], $0x80, v4, vm0, $0xb8;
	[tilespmem:$0x18100] =	vst v63  }
0x10c: {  	s23 =	simm.s32 $0xF100  }
0x10d: {  	[tilespmem:s23], [sflag:$0x3] =	stream.indirect_vreg.gather [hbm4b:s2+s4], $0x80, v3, vm0, $0xb8;
	[tilespmem:$0x18100] =	vst v63  }
0x10e: {  	s23 =	simm.s32 $0xF900  }
0x10f: {  	[tilespmem:s23], [sflag:$0x3] =	stream.indirect_vreg.gather [hbm4b:s10+s4], $0x80, v3, vm0, $0xb8;
	[tilespmem:$0x18100] =	vst v63  }
0x110: {  	s23 =	simm.s32 $0x10100  }
0x111: {  	[tilespmem:s23], [sflag:$0x3] =	stream.indirect_vreg.gather [hbm4b:s11+s4], $0x80, v3, vm0, $0xb8;
	[tilespmem:$0x18100] =	vst v63  }
0x112: {  	s23 =	simm.s32 $0x10900  }
0x113: {  	[tilespmem:s23], [sflag:$0x3] =	stream.indirect_vreg.gather [hbm4b:s12+s4], $0x80, v3, vm0, $0xb8;
	[tilespmem:$0x18100] =	vst v63  }
0x114: {  	s23 =	simm.s32 $0x11100  }
0x115: {  	[tilespmem:s23], [sflag:$0x3] =	stream.indirect_vreg.gather [hbm4b:s13+s4], $0x80, v3, vm0, $0xb8;
	[tilespmem:$0x18100] =	vst v63  }
0x116: {  	s23 =	simm.s32 $0x11900  }
0x117: {  	[tilespmem:s23], [sflag:$0x3] =	stream.indirect_vreg.gather [hbm4b:s14+s4], $0x80, v3, vm0, $0xb8;
	[tilespmem:$0x18100] =	vst v63  }
0x118: {  	_ =	swait.ge [sflag:s1], $0x6000  }
0x119: {  	[sflag:s1] =	ssyncset.done $0x0  }
0x11a: {  	s23 =	rddreg [dreg:$0xd];
	[sflag:s1] =	ssyncadd.s32 $0xFFFFA000;
	s1 =	simm.s32 $0x8  }
0x11b: {  	[hbm4b:s23+s4] =	stream.linear.scatter [tilespmem:s17], [sflag:$0x6], $0x6000, $0x38;
	[tilespmem:$0x18100] =	vst v63  }
0x11c: {  	_ =	swait.ge [sflag:s1], $0x6000  }
0x11d: {  	[sflag:s1] =	ssyncset.done $0x0  }
0x11e: {  	[sflag:s1] =	ssyncadd.s32 $0xFFFFA000  }
0x11f: {  	v3 =	vld [tilespmem:$0xB0];
	_ =	sdelay $0x4  }
0x120: {  	v63 =	vshrl.u32 v3, $0x3  }
0x121: {  	v4 =	vmul.u32 $0x60, v63  }
0x122: {  	v3 =	vand.u32 $0x7, v3  }
0x123: {  	v3 =	vor.u32 v3, v4  }
0x124: {  	v4 =	vperm.xlane v3, v0;
	_ =	sdelay $0x1  }
0x125: {  	v4 =	vadd.s32 v1, v4;
	_ =	sdelay $0x4  }
0x126: {  	[tilespmem:s16], [sflag:$0x4] =	stream.indirect_vreg.gather [hbm4b:s2+s4], $0x80, v4, vm0, $0xb8;
	[tilespmem:$0x18100] =	vst v63  }
0x127: {  	s22 =	simm.s32 $0x12900  }
0x128: {  	[tilespmem:s22], [sflag:$0x4] =	stream.indirect_vreg.gather [hbm4b:s10+s4], $0x80, v4, vm0, $0xb8;
	[tilespmem:$0x18100] =	vst v63  }
0x129: {  	s23 =	simm.s32 $0x13100  }
0x12a: {  	[tilespmem:s23], [sflag:$0x4] =	stream.indirect_vreg.gather [hbm4b:s11+s4], $0x80, v4, vm0, $0xb8;
	[tilespmem:$0x18100] =	vst v63  }
0x12b: {  	v3 =	vperm.xlane v3, v2;
	s22 =	simm.s32 $0x13900  }
0x12c: {  	[tilespmem:s22], [sflag:$0x4] =	stream.indirect_vreg.gather [hbm4b:s12+s4], $0x80, v4, vm0, $0xb8;
	[tilespmem:$0x18100] =	vst v63  }
0x12d: {  	v3 =	vadd.s32 v1, v3;
	s23 =	simm.s32 $0x14100  }
0x12e: {  	[tilespmem:s23], [sflag:$0x4] =	stream.indirect_vreg.gather [hbm4b:s13+s4], $0x80, v4, vm0, $0xb8;
	[tilespmem:$0x18100] =	vst v63  }
0x12f: {  	s22 =	simm.s32 $0x14900  }
0x130: {  	[tilespmem:s22], [sflag:$0x4] =	stream.indirect_vreg.gather [hbm4b:s14+s4], $0x80, v4, vm0, $0xb8;
	[tilespmem:$0x18100] =	vst v63  }
0x131: {  	s23 =	simm.s32 $0x15100  }
0x132: {  	[tilespmem:s23], [sflag:$0x4] =	stream.indirect_vreg.gather [hbm4b:s2+s4], $0x80, v3, vm0, $0xb8;
	[tilespmem:$0x18100] =	vst v63  }
0x133: {  	s22 =	simm.s32 $0x15900  }
0x134: {  	[tilespmem:s22], [sflag:$0x4] =	stream.indirect_vreg.gather [hbm4b:s10+s4], $0x80, v3, vm0, $0xb8;
	[tilespmem:$0x18100] =	vst v63  }
0x135: {  	s23 =	simm.s32 $0x16100  }
0x136: {  	[tilespmem:s23], [sflag:$0x4] =	stream.indirect_vreg.gather [hbm4b:s11+s4], $0x80, v3, vm0, $0xb8;
	[tilespmem:$0x18100] =	vst v63  }
0x137: {  	s17 =	simm.s32 $0x16900  }
0x138: {  	[tilespmem:s17], [sflag:$0x4] =	stream.indirect_vreg.gather [hbm4b:s12+s4], $0x80, v3, vm0, $0xb8;
	[tilespmem:$0x18100] =	vst v63  }
0x139: {  	s22 =	simm.s32 $0x17100  }
0x13a: {  	[tilespmem:s22], [sflag:$0x4] =	stream.indirect_vreg.gather [hbm4b:s13+s4], $0x80, v3, vm0, $0xb8;
	[tilespmem:$0x18100] =	vst v63  }
0x13b: {  	s23 =	simm.s32 $0x17900  }
0x13c: {  	[tilespmem:s23], [sflag:$0x4] =	stream.indirect_vreg.gather [hbm4b:s14+s4], $0x80, v3, vm0, $0xb8;
	[tilespmem:$0x18100] =	vst v63  }
0x13d: {  	_ =	swait.ge [sflag:s3], $0x6000  }
0x13e: {  	[sflag:s3] =	ssyncset.done $0x0  }
0x13f: {  	s17 =	rddreg [dreg:$0xe];
	[sflag:s3] =	ssyncadd.s32 $0xFFFFA000  }
0x140: {  	[hbm4b:s17+s4] =	stream.linear.scatter [tilespmem:s18], [sflag:$0x7], $0x6000, $0x38;
	[tilespmem:$0x18100] =	vst v63  }
0x141: {  	_ =	swait.ge [sflag:s20], $0x6000  }
0x142: {  	[sflag:s20] =	ssyncset.done $0x0  }
0x143: {  	s23 =	rddreg [dreg:$0xf];
	[sflag:s20] =	ssyncadd.s32 $0xFFFFA000  }
0x144: {  	[hbm4b:s23+s4] =	stream.linear.scatter [tilespmem:s16], [sflag:$0x8], $0x6000, $0x38;
	[tilespmem:$0x18100] =	vst v63  }
0x145: {  	_ =	swait.ge [sflag:s15], $0x6000  }
0x146: {  	[sflag:s15] =	ssyncset.done $0x0  }
0x147: {  	[sflag:s15] =	ssyncadd.s32 $0xFFFFA000  }
0x148: {  	_ =	swait.ge [sflag:s21], $0x6000  }
0x149: {  	[sflag:s21] =	ssyncset.done $0x0  }
0x14a: {  	[sflag:s21] =	ssyncadd.s32 $0xFFFFA000  }
0x14b: {  	p0 =	sne.s32 s19, $0x1;
	_ =	swait.ge [sflag:s0], $0x6000  }
.Ltmp0:
0x14c: {  	[sflag:s0] =	ssyncset.done $0x0;
	(pc) =	sbr.rel @p0 .LBB2_1-.Ltmp0, $4  }
0x14d: {  	[sflag:s0] =	ssyncadd.s32 $0xFFFFA000  }
0x14e: {  	_ =	swait.ge [sflag:s1], $0x6000  }
0x14f: {  	[sflag:s1] =	ssyncset.done $0x0  }
0x150: {  	s19 =	sadd.s32 $0xFFFFFFFF, s19;
	[sflag:s1] =	ssyncadd.s32 $0xFFFFA000  }
0x151: {  	_ =	sfence.sel $0x180000  }
0x152: {  	[bflag:$0x0] =	sbarrier.arrive $0xFFFF  }
0x153: {  	_ =	strace $0x9000004A  }
0x154: {  	s0 =	stileid.u32;
	[bflag:$0x2] =	sbarrier.arrive $0xFFFF  }
0x155: {  	p0 =	sne.s32 s0, $0x0;
	s0 =	rddreg [dreg:$0x5]  }
0x156: {  	s0 =	sadd.s32 @!p0 $0x100000, s0  }
0x157: {  	[sflag:s0] =	ssyncadd.tile.s32 @!p0 $0x1;
	_ =	shalt  }
.Lfunc_end2:
_tile_overlayer_lowered:
.L_overlay_start_2:
0x158: {  	(tag) =	ssettag $0x2  }
0x159: {  	s0 =	rddreg [dreg:$0x0];
	s2 =	stileid.u32  }
0x15a: {  	s1 =	rddreg [dreg:$0x1];
	p0 =	sne.s32 s2, $0x0  }
0x15b: {  	s3 =	rddreg [dreg:$0x2];
	[bflag:$0x3] =	sbarrier.arrive $0xFFFF;
	s2 =	simm.s32 @!p0 $0x1C09  }
0x15c: {  	[timem:s3], [sflag:s2] =	dma.local @!p0 [hbm:s0], s1  }
0x15d: {  	s0 =	simm.s32 @!p0 $0x9  }
0x15e: {  	_ =	swait.ge @!p0 [sflag:s0], s1  }
0x15f: {  	s1 =	ssub.s32 @!p0 $0x0, s1;
	[sflag:s0] =	ssyncset.done @!p0 $0x0  }
0x160: {  	[sflag:s0] =	ssyncadd.s32 @!p0 s1  }
0x161: {  	[bflag:$0x3] =	sbarrier.arrive $0xFFFF  }
0x162: {  	_ =	shalt  }

</sc_bundles>
